<compile_context>
chip_gen: v7x
topology: tpu7x:2x2x1
jax: 0.10.2.dev20260603
libtpu: 0.0.44.dev20260713+nightly
codegen_flags: <defaults>
</compile_context>

<pallas_src>
import jax
import jax.numpy as jnp
from jax import lax
from jax.experimental import pallas as pl
from jax.experimental.pallas import tpu as pltpu
from jax.experimental.pallas import tpu_sc as plsc

N_NODES = 10000
N_EDGES = 160000
IN_DIM = 128
NUM_TYPES = 16
DIM = 32
EPS = 1e-5

PK = 8
EROWS = N_EDGES // PK

NC, NS = 2, 16
NW = NC * NS
EW = N_EDGES // NW
SUB = 125
NSUB = EW // SUB
CHUNK = 1000
NCHUNK = EW // CHUNK
SPC = NSUB // NCHUNK
N_PAD = 10240
ROWS_PER_SUBCORE = N_PAD // NS

_MSG_R = 400
_ST_R = 2000


def _lin0_body(x_ref, w_ref, b_ref, g_ref, bb_ref, o_ref):
    hp = jnp.dot(x_ref[...], w_ref[...], preferred_element_type=jnp.float32)
    hp = hp + b_ref[...]
    mu = jnp.mean(hp, axis=0, keepdims=True)
    d = hp - mu
    var = jnp.mean(d * d, axis=0, keepdims=True)
    o_ref[...] = jnp.maximum(d * lax.rsqrt(var + EPS) * g_ref[...] + bb_ref[...], 0.0)


def _stats_body(ea_ref, w1_ref, b1_ref, g_ref, bb_ref, a_ref, b_ref,
                macc, sacc):
    i = pl.program_id(0)
    blk = ea_ref[...]

    @pl.when(i == 0)
    def _():
        macc[...] = jnp.zeros_like(macc)
        sacc[...] = jnp.zeros_like(sacc)

    macc[...] += lax.dot_general(blk, blk, (((0,), (0,)), ((), ())),
                                 preferred_element_type=jnp.float32)
    sacc[...] += jnp.sum(blk, axis=0, keepdims=True)

    @pl.when(i == pl.num_programs(0) - 1)
    def _():
        m = macc[...]
        s = sacc[...]
        m16 = sum(m[NUM_TYPES * j:NUM_TYPES * (j + 1),
                    NUM_TYPES * j:NUM_TYPES * (j + 1)] for j in range(PK))
        s16 = sum(s[:, NUM_TYPES * j:NUM_TYPES * (j + 1)] for j in range(PK))
        inv_e = 1.0 / N_EDGES
        mu_x = jnp.dot(s16, w1_ref[...], preferred_element_type=jnp.float32) * inv_e
        ex2 = jnp.sum(w1_ref[...] * jnp.dot(m16, w1_ref[...],
                                            preferred_element_type=jnp.float32),
                      axis=0, keepdims=True) * inv_e
        var = ex2 - mu_x * mu_x
        mu = mu_x + b1_ref[...]
        a = lax.rsqrt(var + EPS) * g_ref[...]
        bc = bb_ref[...] - mu * a
        a_ref[...] = jnp.concatenate([a] * PK, axis=1)
        b_ref[...] = jnp.concatenate([bc] * PK, axis=1)


def _gather_body(h_hbm, src_hbm, xj_hbm, idx_v, rows_v, sem):
    c = lax.axis_index("c")
    s = lax.axis_index("s")
    wid = c * NS + s
    pltpu.sync_copy(src_hbm.at[wid], idx_v)

    def chunk(ci, carry):
        cps = [
            pltpu.async_copy(
                h_hbm.at[idx_v.at[ci * SPC + j]],
                rows_v.at[pl.ds(j * SUB, SUB)],
                sem,
            )
            for j in range(SPC)
        ]
        for cp in cps:
            cp.wait()
        pltpu.sync_copy(rows_v, xj_hbm.at[pl.ds(wid * EW + ci * CHUNK, CHUNK)])
        return carry

    lax.fori_loop(0, NCHUNK, chunk, 0)


def _msg_body(xj_ref, ea_ref, a_ref, b_ref, w2o8_ref, rep8_ref, epw8_ref,
              b2r_ref, o_ref):
    ea8 = ea_ref[...]
    ep8 = jnp.dot(ea8, epw8_ref[...], preferred_element_type=jnp.float32)
    ef8 = jnp.maximum(ep8 * a_ref[...] + b_ref[...], 0.0)
    xj8 = xj_ref[...]
    v8 = jnp.dot(ef8, w2o8_ref[...], preferred_element_type=jnp.float32)
    v8 = (v8 + b2r_ref[...]).astype(jnp.bfloat16).astype(jnp.float32)
    xjrep = jnp.dot(xj8, rep8_ref[...], preferred_element_type=jnp.float32)
    p = xjrep * v8
    parts = []
    kk = DIM * DIM
    for j in range(PK):
        q = p[:, j * kk:(j + 1) * kk]
        w = kk
        while w > DIM:
            w //= 2
            q = q[:, :w] + q[:, w:]
        parts.append(q)
    o_ref[...] = jnp.concatenate(parts, axis=1)


def _scatter_body(msg_hbm, dst_hbm, zeros_hbm, out_hbm, idx_v, buf, zbuf, acc,
                  sem):
    c = lax.axis_index("c")
    s = lax.axis_index("s")
    wid = c * NS + s
    pltpu.sync_copy(zeros_hbm, zbuf)
    pltpu.sync_copy(zbuf, acc.at[pl.ds(s * ROWS_PER_SUBCORE, ROWS_PER_SUBCORE)])
    plsc.subcore_barrier()

    pltpu.sync_copy(dst_hbm.at[wid], idx_v)

    def chunk(ci, carry):
        pltpu.sync_copy(msg_hbm.at[pl.ds(wid * EW + ci * CHUNK, CHUNK)], buf)

        def sub(j, carry2):
            pltpu.sync_copy(
                buf.at[pl.ds(j * SUB, SUB)],
                acc.at[idx_v.at[ci * SPC + j]],
                add=True,
            )
            return carry2

        lax.fori_loop(0, SPC, sub, 0)
        return carry

    lax.fori_loop(0, NCHUNK, chunk, 0)
    plsc.subcore_barrier()
    pltpu.sync_copy(
        acc.at[pl.ds(s * ROWS_PER_SUBCORE, ROWS_PER_SUBCORE)],
        out_hbm.at[c, pl.ds(s * ROWS_PER_SUBCORE, ROWS_PER_SUBCORE)],
    )


def _final_body(p_ref, g_ref, bb_ref, w_ref, b_ref, o_ref):
    nrows = N_NODES // PK
    agg = p_ref[0, :nrows, :] + p_ref[1, :nrows, :]
    sm = jnp.sum(agg, axis=0, keepdims=True)
    m32 = sum(sm[:, DIM * j:DIM * (j + 1)] for j in range(PK)) * (1.0 / N_NODES)
    mu = jnp.concatenate([m32] * PK, axis=1)
    d = agg - mu
    v = jnp.sum(d * d, axis=0, keepdims=True)
    v32 = sum(v[:, DIM * j:DIM * (j + 1)] for j in range(PK)) * (1.0 / N_NODES)
    var = jnp.concatenate([v32] * PK, axis=1)
    h2 = jnp.maximum(d * lax.rsqrt(var + EPS) * g_ref[...] + bb_ref[...], 0.0)
    s = jnp.sum(h2 * w_ref[...])
    o_ref[...] = jnp.full((1, 1), 1.0 / N_NODES) * s + b_ref[...]


def kernel(x, edge_index, edge_attr,
           lin0_W, lin0_b, bn0_g, bn0_b,
           nn1_W1, nn1_b1, nn1_bn_g, nn1_bn_b, nn1_W2, nn1_b2,
           bn1_g, bn1_b, lin1_W, lin1_b):
    f32 = jnp.float32
    src3 = edge_index[0].astype(jnp.int32).reshape(NW, NSUB, SUB)
    dst3 = edge_index[1].astype(jnp.int32).reshape(NW, NSUB, SUB)
    eye8 = jnp.eye(PK, dtype=f32)
    w2o8 = jnp.kron(eye8, nn1_W2)
    rrep = jnp.repeat(jnp.eye(DIM, dtype=f32), DIM, axis=1)
    rep8 = jnp.kron(eye8, rrep)
    epw8 = jnp.kron(eye8, nn1_W1)
    b2r = jnp.tile(nn1_b2.reshape(1, DIM * DIM), (1, PK))
    ea8 = edge_attr.reshape(EROWS, PK * NUM_TYPES)

    h = pl.pallas_call(
        _lin0_body,
        out_shape=jax.ShapeDtypeStruct((N_NODES, DIM), f32),
    )(x, lin0_W, lin0_b.reshape(1, DIM), bn0_g.reshape(1, DIM),
      bn0_b.reshape(1, DIM))

    g2 = EROWS // _ST_R
    a256, b256 = pl.pallas_call(
        _stats_body,
        grid=(g2,),
        in_specs=[
            pl.BlockSpec((_ST_R, PK * NUM_TYPES), lambda i: (i, 0)),
            pl.BlockSpec((NUM_TYPES, DIM), lambda i: (0, 0)),
            pl.BlockSpec((1, DIM), lambda i: (0, 0)),
            pl.BlockSpec((1, DIM), lambda i: (0, 0)),
            pl.BlockSpec((1, DIM), lambda i: (0, 0)),
        ],
        out_specs=[
            pl.BlockSpec((1, PK * DIM), lambda i: (0, 0)),
            pl.BlockSpec((1, PK * DIM), lambda i: (0, 0)),
        ],
        out_shape=[
            jax.ShapeDtypeStruct((1, PK * DIM), f32),
            jax.ShapeDtypeStruct((1, PK * DIM), f32),
        ],
        scratch_shapes=[
            pltpu.VMEM((PK * NUM_TYPES, PK * NUM_TYPES), f32),
            pltpu.VMEM((1, PK * NUM_TYPES), f32),
        ],
    )(ea8, nn1_W1, nn1_b1.reshape(1, DIM), nn1_bn_g.reshape(1, DIM),
      nn1_bn_b.reshape(1, DIM))

    mesh = plsc.VectorSubcoreMesh(core_axis_name="c", subcore_axis_name="s",
                                  num_cores=NC, num_subcores=NS)
    sc_params = pltpu.CompilerParams(use_tc_tiling_on_sc=False)
    xj = pl.kernel(
        _gather_body,
        out_type=jax.ShapeDtypeStruct((N_EDGES, DIM), f32),
        mesh=mesh,
        compiler_params=sc_params,
        scratch_types=[
            pltpu.VMEM((NSUB, SUB), jnp.int32),
            pltpu.VMEM((CHUNK, DIM), f32),
            pltpu.SemaphoreType.DMA,
        ],
    )(h, src3)
    xj8 = xj.reshape(EROWS, PK * DIM)

    gm = EROWS // _MSG_R
    msg8 = pl.pallas_call(
        _msg_body,
        grid=(gm,),
        in_specs=[
            pl.BlockSpec((_MSG_R, PK * DIM), lambda i: (i, 0)),
            pl.BlockSpec((_MSG_R, PK * NUM_TYPES), lambda i: (i, 0)),
            pl.BlockSpec((1, PK * DIM), lambda i: (0, 0)),
            pl.BlockSpec((1, PK * DIM), lambda i: (0, 0)),
            pl.BlockSpec((PK * DIM, PK * DIM * DIM), lambda i: (0, 0)),
            pl.BlockSpec((PK * DIM, PK * DIM * DIM), lambda i: (0, 0)),
            pl.BlockSpec((PK * NUM_TYPES, PK * DIM), lambda i: (0, 0)),
            pl.BlockSpec((1, PK * DIM * DIM), lambda i: (0, 0)),
        ],
        out_specs=pl.BlockSpec((_MSG_R, PK * DIM), lambda i: (i, 0)),
        out_shape=jax.ShapeDtypeStruct((EROWS, PK * DIM), f32),
    )(xj8, ea8, a256, b256, w2o8, rep8, epw8, b2r)
    msg = msg8.reshape(N_EDGES, DIM)

    partials = pl.kernel(
        _scatter_body,
        out_type=jax.ShapeDtypeStruct((NC, N_PAD, DIM), f32),
        mesh=mesh,
        compiler_params=sc_params,
        scratch_types=[
            pltpu.VMEM((NSUB, SUB), jnp.int32),
            pltpu.VMEM((CHUNK, DIM), f32),
            pltpu.VMEM((ROWS_PER_SUBCORE, DIM), f32),
            pltpu.VMEM_SHARED((N_PAD, DIM), f32),
            pltpu.SemaphoreType.DMA,
        ],
    )(msg, dst3, jnp.zeros((ROWS_PER_SUBCORE, DIM), f32))
    p8 = partials.reshape(NC, N_PAD // PK, PK * DIM)

    tile8 = lambda v: jnp.tile(v.reshape(1, DIM), (1, PK))
    out2d = pl.pallas_call(
        _final_body,
        out_shape=jax.ShapeDtypeStruct((1, 1), f32),
    )(p8, tile8(bn1_g), tile8(bn1_b), tile8(lin1_W), lin1_b.reshape(1, 1))
    return out2d[0, 0]

# --- scband reference (transcript-rebuilt; emitter-appended) ---
"""Pipeline reference for scband-ddi-local-energy-net-24026047054014 (READ-ONLY COPY).

The authoritative reference and input builder live on the scoring server;
editing this copy changes nothing except your own understanding.
"""

import jax, jax.numpy as jnp
import numpy as np

N_NODES = 10000
N_EDGES = 160000
IN_DIM = 128
NUM_TYPES = 16
DIM = 32
EPS = 1e-5


def setup_inputs(seed: int = 0) -> dict:
    key = jax.random.key(seed)
    ks = jax.random.split(key, 20)
    x = jax.random.normal(ks[0], (N_NODES, IN_DIM), dtype=jnp.float32)
    edge_index = jax.random.randint(ks[1], (2, N_EDGES), 0, N_NODES, dtype=jnp.int64)
    edge_attr = jax.random.uniform(ks[2], (N_EDGES, NUM_TYPES), dtype=jnp.float32)
    s = 0.05
    params = {
        'lin0_W': jax.random.normal(ks[3], (IN_DIM, DIM), dtype=jnp.float32) * s,
        'lin0_b': jnp.zeros((DIM,), dtype=jnp.float32),
        'bn0_g': jnp.ones((DIM,), dtype=jnp.float32),
        'bn0_b': jnp.zeros((DIM,), dtype=jnp.float32),
        'nn1_W1': jax.random.normal(ks[4], (NUM_TYPES, 32), dtype=jnp.float32) * s,
        'nn1_b1': jnp.zeros((32,), dtype=jnp.float32),
        'nn1_bn_g': jnp.ones((32,), dtype=jnp.float32),
        'nn1_bn_b': jnp.zeros((32,), dtype=jnp.float32),
        'nn1_W2': jax.random.normal(ks[5], (32, DIM * DIM), dtype=jnp.float32) * s,
        'nn1_b2': jnp.zeros((DIM * DIM,), dtype=jnp.float32),
        'bn1_g': jnp.ones((DIM,), dtype=jnp.float32),
        'bn1_b': jnp.zeros((DIM,), dtype=jnp.float32),
        'lin1_W': jax.random.normal(ks[6], (DIM, 1), dtype=jnp.float32) * s,
        'lin1_b': jnp.zeros((1,), dtype=jnp.float32),
    }
    return {'x': x, 'edge_index': edge_index, 'edge_attr': edge_attr, **params}


def _batch_norm(h, gamma, beta):
    # training-mode BatchNorm1d: biased batch statistics
    mean = jnp.mean(h, axis=0)
    var = jnp.var(h, axis=0)
    return (h - mean) / jnp.sqrt(var + EPS) * gamma + beta


def reference(x, edge_index, edge_attr,
              lin0_W, lin0_b, bn0_g, bn0_b,
              nn1_W1, nn1_b1, nn1_bn_g, nn1_bn_b, nn1_W2, nn1_b2,
              bn1_g, bn1_b, lin1_W, lin1_b):
    # lin0 + bn0 + relu
    h = x @ lin0_W + lin0_b
    h = jax.nn.relu(_batch_norm(h, bn0_g, bn0_b))
    # edge network nn1: Linear(num_types,32) -> BN(32) -> ReLU -> Linear(32, dim*dim)
    e = edge_attr @ nn1_W1 + nn1_b1
    e = jax.nn.relu(_batch_norm(e, nn1_bn_g, nn1_bn_b))
    W_edge = (e @ nn1_W2 + nn1_b2).reshape(-1, DIM, DIM)  # [E, dim, dim]
    # NNConv-style message passing, root_weight=False, aggr='add'
    src = edge_index[0]
    dst = edge_index[1]
    x_j = jnp.take(h, src, axis=0)  # gather source node features [E, dim]
    msg = jnp.einsum('ed,edf->ef', x_j, W_edge)  # per-edge matmul [E, dim]
    agg = jax.ops.segment_sum(msg, dst, num_segments=N_NODES)  # scatter-add [N, dim]
    # bn1 + relu
    h2 = jax.nn.relu(_batch_norm(agg, bn1_g, bn1_b))
    # lin1 + mean -> scalar
    out = (h2 @ lin1_W + lin1_b).mean()
    return out

if __name__ == "__main__":
    import jax
    _d = setup_inputs()
    print(jax.jit(kernel)(*tuple(_d.values())))

</pallas_src>

<mosaic_0001>
#map = affine_map<(d0, d1) -> (0, 0)>
#map1 = affine_map<(d0, d1) -> (0, 0, 0)>
module attributes {stable_mosaic.version = 14 : i64} {
  func.func @_scatter_body(%arg0: i32, %arg1: i32, %arg2: memref<160000x32xf32, #tpu.memory_space<hbm>>, %arg3: memref<32x40x125xi32, #tpu.memory_space<hbm>>, %arg4: memref<640x32xf32, #tpu.memory_space<hbm>>, %arg5: memref<2x10240x32xf32, #tpu.memory_space<hbm>>, %arg6: memref<40x125xi32, #tpu.memory_space<vmem>>, %arg7: memref<1000x32xf32, #tpu.memory_space<vmem>>, %arg8: memref<640x32xf32, #tpu.memory_space<vmem>>, %arg9: memref<10240x32xf32, #tpu.memory_space<vmem_shared>>, %arg10: memref<!tpu.dma_semaphore, #tpu.memory_space<semaphore_mem>>) attributes {dimension_semantics = [#tpu.dimension_semantics<core_parallel>, #tpu.dimension_semantics<subcore_parallel>], iteration_bounds = array<i64: 2, 16>, scalar_prefetch = 0 : i64, scratch_operands = 5 : i64, tpu.core_type = #tpu.core_type<sc_vector_subcore>, window_params = [{transform_indices = #map}, {transform_indices = #map1}, {transform_indices = #map}, {transform_indices = #map1}]} {
    %mul3A = arith.constant 16 : i32
    %mul3A_0 = arith.muli %arg0, %mul3A : i32
    %add3A = arith.addi %mul3A_0, %arg1 : i32
    "tpu.region"() ({
      %run_scoped3A = tpu.sem_alloc : memref<!tpu.dma_semaphore, #tpu.memory_space<semaphore_mem>>
      tpu.enqueue_dma source(%arg4 : memref<640x32xf32, #tpu.memory_space<hbm>>) target(%arg8 : memref<640x32xf32, #tpu.memory_space<vmem>>) target_semaphore(%run_scoped3A : memref<!tpu.dma_semaphore, #tpu.memory_space<semaphore_mem>>)
      tpu.wait_dma2 semaphore(%run_scoped3A : memref<!tpu.dma_semaphore, #tpu.memory_space<semaphore_mem>>) src(%arg4 : memref<640x32xf32, #tpu.memory_space<hbm>>) dst(%arg8 : memref<640x32xf32, #tpu.memory_space<vmem>>)
      tpu.yield
    }) : () -> ()
    %mul3A_1 = arith.constant 640 : i32
    %mul3A_2 = arith.muli %arg1, %mul3A_1 : i32
    "tpu.region"() ({
      %run_scoped3A = tpu.sem_alloc : memref<!tpu.dma_semaphore, #tpu.memory_space<semaphore_mem>>
      %dma_start3A = arith.constant 0 : i32
      %dma_start3A_13 = tpu.memref_slice %arg9[%mul3A_2, %dma_start3A] : memref<10240x32xf32, #tpu.memory_space<vmem_shared>> -> memref<640x32xf32, #tpu.memory_space<vmem_shared>>
      %dma_start3A_14 = arith.constant 0 : i32
      %dma_start3A_15 = tpu.memref_slice %arg9[%mul3A_2, %dma_start3A_14] : memref<10240x32xf32, #tpu.memory_space<vmem_shared>> -> memref<640x32xf32, #tpu.memory_space<vmem_shared>>
      tpu.enqueue_dma source(%arg8 : memref<640x32xf32, #tpu.memory_space<vmem>>) target(%dma_start3A_15 : memref<640x32xf32, #tpu.memory_space<vmem_shared>>) target_semaphore(%run_scoped3A : memref<!tpu.dma_semaphore, #tpu.memory_space<semaphore_mem>>)
      %dma_wait3A = arith.constant 0 : i32
      %dma_wait3A_16 = tpu.memref_slice %arg9[%mul3A_2, %dma_wait3A] : memref<10240x32xf32, #tpu.memory_space<vmem_shared>> -> memref<640x32xf32, #tpu.memory_space<vmem_shared>>
      %dma_wait3A_17 = arith.constant 0 : i32
      %dma_wait3A_18 = tpu.memref_slice %arg9[%mul3A_2, %dma_wait3A_17] : memref<10240x32xf32, #tpu.memory_space<vmem_shared>> -> memref<640x32xf32, #tpu.memory_space<vmem_shared>>
      tpu.wait_dma2 semaphore(%run_scoped3A : memref<!tpu.dma_semaphore, #tpu.memory_space<semaphore_mem>>) src(%arg8 : memref<640x32xf32, #tpu.memory_space<vmem>>) dst(%dma_wait3A_18 : memref<640x32xf32, #tpu.memory_space<vmem_shared>>)
      tpu.yield
    }) : () -> ()
    %barrier3A = arith.constant 0 : index
    tpu.barrier barrier_id(%barrier3A)
    "tpu.region"() ({
      %run_scoped3A = tpu.sem_alloc : memref<!tpu.dma_semaphore, #tpu.memory_space<semaphore_mem>>
      %dma_start3A = arith.constant 0 : i32
      %dma_start3A_13 = arith.constant 0 : i32
      %dma_start3A_14 = tpu.memref_slice %arg3[%add3A, %dma_start3A, %dma_start3A_13] : memref<32x40x125xi32, #tpu.memory_space<hbm>> -> memref<1x40x125xi32, #tpu.memory_space<hbm>>
      %dma_start3A_15 = tpu.memref_squeeze %dma_start3A_14 : memref<1x40x125xi32, #tpu.memory_space<hbm>> -> memref<40x125xi32, #tpu.memory_space<hbm>>
      %dma_start3A_16 = arith.constant 0 : i32
      %dma_start3A_17 = arith.constant 0 : i32
      %dma_start3A_18 = tpu.memref_slice %arg3[%add3A, %dma_start3A_16, %dma_start3A_17] : memref<32x40x125xi32, #tpu.memory_space<hbm>> -> memref<1x40x125xi32, #tpu.memory_space<hbm>>
      %dma_start3A_19 = tpu.memref_squeeze %dma_start3A_18 : memref<1x40x125xi32, #tpu.memory_space<hbm>> -> memref<40x125xi32, #tpu.memory_space<hbm>>
      tpu.enqueue_dma source(%dma_start3A_19 : memref<40x125xi32, #tpu.memory_space<hbm>>) target(%arg6 : memref<40x125xi32, #tpu.memory_space<vmem>>) target_semaphore(%run_scoped3A : memref<!tpu.dma_semaphore, #tpu.memory_space<semaphore_mem>>)
      %dma_wait3A = arith.constant 0 : i32
      %dma_wait3A_20 = arith.constant 0 : i32
      %dma_wait3A_21 = tpu.memref_slice %arg3[%add3A, %dma_wait3A, %dma_wait3A_20] : memref<32x40x125xi32, #tpu.memory_space<hbm>> -> memref<1x40x125xi32, #tpu.memory_space<hbm>>
      %dma_wait3A_22 = tpu.memref_squeeze %dma_wait3A_21 : memref<1x40x125xi32, #tpu.memory_space<hbm>> -> memref<40x125xi32, #tpu.memory_space<hbm>>
      %dma_wait3A_23 = arith.constant 0 : i32
      %dma_wait3A_24 = arith.constant 0 : i32
      %dma_wait3A_25 = tpu.memref_slice %arg3[%add3A, %dma_wait3A_23, %dma_wait3A_24] : memref<32x40x125xi32, #tpu.memory_space<hbm>> -> memref<1x40x125xi32, #tpu.memory_space<hbm>>
      %dma_wait3A_26 = tpu.memref_squeeze %dma_wait3A_25 : memref<1x40x125xi32, #tpu.memory_space<hbm>> -> memref<40x125xi32, #tpu.memory_space<hbm>>
      tpu.wait_dma2 semaphore(%run_scoped3A : memref<!tpu.dma_semaphore, #tpu.memory_space<semaphore_mem>>) src(%dma_wait3A_26 : memref<40x125xi32, #tpu.memory_space<hbm>>) dst(%arg6 : memref<40x125xi32, #tpu.memory_space<vmem>>)
      tpu.yield
    }) : () -> ()
    %scan3A = arith.constant 0 : i32
    %scan3A_3 = arith.constant 0 : i32
    %scan3A_4 = arith.constant 5 : i32
    %scan3A_5 = arith.addi %scan3A_3, %scan3A_4 : i32
    %scan3A_6 = arith.constant 1 : i32
    scf.for %scan3A_13 = %scan3A_3 to %scan3A_5 step %scan3A_6  : i32 {
      %mul3A_14 = arith.constant 5000 : i32
      %mul3A_15 = arith.muli %add3A, %mul3A_14 : i32
      %mul3A_16 = arith.constant 1000 : i32
      %mul3A_17 = arith.muli %scan3A_13, %mul3A_16 : i32
      %add3A_18 = arith.addi %mul3A_15, %mul3A_17 : i32
      "tpu.region"() ({
        %run_scoped3A = tpu.sem_alloc : memref<!tpu.dma_semaphore, #tpu.memory_space<semaphore_mem>>
        %dma_start3A = arith.constant 0 : i32
        %dma_start3A_25 = tpu.memref_slice %arg2[%add3A_18, %dma_start3A] : memref<160000x32xf32, #tpu.memory_space<hbm>> -> memref<1000x32xf32, #tpu.memory_space<hbm>>
        %dma_start3A_26 = arith.constant 0 : i32
        %dma_start3A_27 = tpu.memref_slice %arg2[%add3A_18, %dma_start3A_26] : memref<160000x32xf32, #tpu.memory_space<hbm>> -> memref<1000x32xf32, #tpu.memory_space<hbm>>
        tpu.enqueue_dma source(%dma_start3A_27 : memref<1000x32xf32, #tpu.memory_space<hbm>>) target(%arg7 : memref<1000x32xf32, #tpu.memory_space<vmem>>) target_semaphore(%run_scoped3A : memref<!tpu.dma_semaphore, #tpu.memory_space<semaphore_mem>>)
        %dma_wait3A = arith.constant 0 : i32
        %dma_wait3A_28 = tpu.memref_slice %arg2[%add3A_18, %dma_wait3A] : memref<160000x32xf32, #tpu.memory_space<hbm>> -> memref<1000x32xf32, #tpu.memory_space<hbm>>
        %dma_wait3A_29 = arith.constant 0 : i32
        %dma_wait3A_30 = tpu.memref_slice %arg2[%add3A_18, %dma_wait3A_29] : memref<160000x32xf32, #tpu.memory_space<hbm>> -> memref<1000x32xf32, #tpu.memory_space<hbm>>
        tpu.wait_dma2 semaphore(%run_scoped3A : memref<!tpu.dma_semaphore, #tpu.memory_space<semaphore_mem>>) src(%dma_wait3A_30 : memref<1000x32xf32, #tpu.memory_space<hbm>>) dst(%arg7 : memref<1000x32xf32, #tpu.memory_space<vmem>>)
        tpu.yield
      }) : () -> ()
      %scan3A_19 = arith.constant 0 : i32
      %scan3A_20 = arith.constant 0 : i32
      %scan3A_21 = arith.constant 8 : i32
      %scan3A_22 = arith.addi %scan3A_20, %scan3A_21 : i32
      %scan3A_23 = arith.constant 1 : i32
      scf.for %scan3A_25 = %scan3A_20 to %scan3A_22 step %scan3A_23  : i32 {
        %mul3A_26 = arith.constant 125 : i32
        %mul3A_27 = arith.muli %scan3A_25, %mul3A_26 : i32
        %mul3A_28 = arith.constant 8 : i32
        %mul3A_29 = arith.muli %scan3A_13, %mul3A_28 : i32
        %add3A_30 = arith.addi %mul3A_29, %scan3A_25 : i32
        "tpu.region"() ({
          %run_scoped3A = tpu.sem_alloc : memref<!tpu.dma_semaphore, #tpu.memory_space<semaphore_mem>>
          %dma_start3A = arith.constant 0 : i32
          %dma_start3A_31 = tpu.memref_slice %arg7[%mul3A_27, %dma_start3A] : memref<1000x32xf32, #tpu.memory_space<vmem>> -> memref<125x32xf32, #tpu.memory_space<vmem>>
          %dma_start3A_32 = arith.constant 0 : i32
          %dma_start3A_33 = tpu.memref_slice %arg6[%add3A_30, %dma_start3A_32] : memref<40x125xi32, #tpu.memory_space<vmem>> -> memref<1x125xi32, #tpu.memory_space<vmem>>
          %dma_start3A_34 = tpu.memref_squeeze %dma_start3A_33 : memref<1x125xi32, #tpu.memory_space<vmem>> -> memref<125xi32, #tpu.memory_space<vmem>>
          %dma_start3A_35 = arith.constant 0 : i32
          %dma_start3A_36 = arith.constant 0 : i32
          %dma_start3A_37 = tpu.memref_slice %arg9[%dma_start3A_35, %dma_start3A_36] : memref<10240x32xf32, #tpu.memory_space<vmem_shared>> -> memref<10240x32xf32, #tpu.memory_space<vmem_shared>>
          tpu.enqueue_indirect_dma source(%dma_start3A_31 : memref<125x32xf32, #tpu.memory_space<vmem>>) target(%dma_start3A_37 : memref<10240x32xf32, #tpu.memory_space<vmem_shared>>) offsets(%dma_start3A_34 : memref<125xi32, #tpu.memory_space<vmem>>) semaphore(%run_scoped3A : memref<!tpu.dma_semaphore, #tpu.memory_space<semaphore_mem>>) {add = true}
          %dma_wait3A = arith.constant 0 : i32
          %dma_wait3A_38 = tpu.memref_slice %arg7[%mul3A_27, %dma_wait3A] : memref<1000x32xf32, #tpu.memory_space<vmem>> -> memref<125x32xf32, #tpu.memory_space<vmem>>
          %dma_wait3A_39 = arith.constant 0 : i32
          %dma_wait3A_40 = tpu.memref_slice %arg6[%add3A_30, %dma_wait3A_39] : memref<40x125xi32, #tpu.memory_space<vmem>> -> memref<1x125xi32, #tpu.memory_space<vmem>>
          %dma_wait3A_41 = tpu.memref_squeeze %dma_wait3A_40 : memref<1x125xi32, #tpu.memory_space<vmem>> -> memref<125xi32, #tpu.memory_space<vmem>>
          %dma_wait3A_42 = arith.constant 0 : i32
          %dma_wait3A_43 = arith.constant 0 : i32
          %dma_wait3A_44 = tpu.memref_slice %arg9[%dma_wait3A_42, %dma_wait3A_43] : memref<10240x32xf32, #tpu.memory_space<vmem_shared>> -> memref<10240x32xf32, #tpu.memory_space<vmem_shared>>
          tpu.wait_indirect_dma semaphore(%run_scoped3A : memref<!tpu.dma_semaphore, #tpu.memory_space<semaphore_mem>>) src(%dma_wait3A_38 : memref<125x32xf32, #tpu.memory_space<vmem>>) dst(%dma_wait3A_44 : memref<10240x32xf32, #tpu.memory_space<vmem_shared>>)
          tpu.yield
        }) : () -> ()
      }
      %scan3A_24 = arith.constant 8 : i32
    }
    %scan3A_7 = arith.constant 5 : i32
    %barrier3A_8 = arith.constant 0 : index
    tpu.barrier barrier_id(%barrier3A_8)
    %mul3A_9 = arith.constant 640 : i32
    %mul3A_10 = arith.muli %arg1, %mul3A_9 : i32
    %mul3A_11 = arith.constant 640 : i32
    %mul3A_12 = arith.muli %arg1, %mul3A_11 : i32
    "tpu.region"() ({
      %run_scoped3A = tpu.sem_alloc : memref<!tpu.dma_semaphore, #tpu.memory_space<semaphore_mem>>
      %dma_start3A = arith.constant 0 : i32
      %dma_start3A_13 = tpu.memref_slice %arg5[%arg0, %mul3A_12, %dma_start3A] : memref<2x10240x32xf32, #tpu.memory_space<hbm>> -> memref<1x640x32xf32, #tpu.memory_space<hbm>>
      %dma_start3A_14 = tpu.memref_squeeze %dma_start3A_13 : memref<1x640x32xf32, #tpu.memory_space<hbm>> -> memref<640x32xf32, #tpu.memory_space<hbm>>
      %dma_start3A_15 = arith.constant 0 : i32
      %dma_start3A_16 = tpu.memref_slice %arg9[%mul3A_10, %dma_start3A_15] : memref<10240x32xf32, #tpu.memory_space<vmem_shared>> -> memref<640x32xf32, #tpu.memory_space<vmem_shared>>
      tpu.enqueue_dma source(%dma_start3A_16 : memref<640x32xf32, #tpu.memory_space<vmem_shared>>) target(%dma_start3A_14 : memref<640x32xf32, #tpu.memory_space<hbm>>) target_semaphore(%run_scoped3A : memref<!tpu.dma_semaphore, #tpu.memory_space<semaphore_mem>>)
      %dma_wait3A = arith.constant 0 : i32
      %dma_wait3A_17 = tpu.memref_slice %arg5[%arg0, %mul3A_12, %dma_wait3A] : memref<2x10240x32xf32, #tpu.memory_space<hbm>> -> memref<1x640x32xf32, #tpu.memory_space<hbm>>
      %dma_wait3A_18 = tpu.memref_squeeze %dma_wait3A_17 : memref<1x640x32xf32, #tpu.memory_space<hbm>> -> memref<640x32xf32, #tpu.memory_space<hbm>>
      %dma_wait3A_19 = arith.constant 0 : i32
      %dma_wait3A_20 = tpu.memref_slice %arg9[%mul3A_10, %dma_wait3A_19] : memref<10240x32xf32, #tpu.memory_space<vmem_shared>> -> memref<640x32xf32, #tpu.memory_space<vmem_shared>>
      tpu.wait_dma2 semaphore(%run_scoped3A : memref<!tpu.dma_semaphore, #tpu.memory_space<semaphore_mem>>) src(%dma_wait3A_20 : memref<640x32xf32, #tpu.memory_space<vmem_shared>>) dst(%dma_wait3A_18 : memref<640x32xf32, #tpu.memory_space<hbm>>)
      tpu.yield
    }) : () -> ()
    return
  }
}

#map = affine_map<(d0, d1) -> (0, 0)>
#map1 = affine_map<(d0, d1) -> (0, 0, 0)>
module attributes {stable_mosaic.version = 14 : i64} {
  func.func @_gather_body(%arg0: i32, %arg1: i32, %arg2: memref<10000x32xf32, #tpu.memory_space<hbm>>, %arg3: memref<32x40x125xi32, #tpu.memory_space<hbm>>, %arg4: memref<160000x32xf32, #tpu.memory_space<hbm>>, %arg5: memref<40x125xi32, #tpu.memory_space<vmem>>, %arg6: memref<1000x32xf32, #tpu.memory_space<vmem>>, %arg7: memref<!tpu.dma_semaphore, #tpu.memory_space<semaphore_mem>>) attributes {dimension_semantics = [#tpu.dimension_semantics<core_parallel>, #tpu.dimension_semantics<subcore_parallel>], iteration_bounds = array<i64: 2, 16>, scalar_prefetch = 0 : i64, scratch_operands = 3 : i64, tpu.core_type = #tpu.core_type<sc_vector_subcore>, window_params = [{transform_indices = #map}, {transform_indices = #map1}, {transform_indices = #map}]} {
    %mul3A = arith.constant 16 : i32
    %mul3A_0 = arith.muli %arg0, %mul3A : i32
    %add3A = arith.addi %mul3A_0, %arg1 : i32
    "tpu.region"() ({
      %run_scoped3A = tpu.sem_alloc : memref<!tpu.dma_semaphore, #tpu.memory_space<semaphore_mem>>
      %dma_start3A = arith.constant 0 : i32
      %dma_start3A_6 = arith.constant 0 : i32
      %dma_start3A_7 = tpu.memref_slice %arg3[%add3A, %dma_start3A, %dma_start3A_6] : memref<32x40x125xi32, #tpu.memory_space<hbm>> -> memref<1x40x125xi32, #tpu.memory_space<hbm>>
      %dma_start3A_8 = tpu.memref_squeeze %dma_start3A_7 : memref<1x40x125xi32, #tpu.memory_space<hbm>> -> memref<40x125xi32, #tpu.memory_space<hbm>>
      %dma_start3A_9 = arith.constant 0 : i32
      %dma_start3A_10 = arith.constant 0 : i32
      %dma_start3A_11 = tpu.memref_slice %arg3[%add3A, %dma_start3A_9, %dma_start3A_10] : memref<32x40x125xi32, #tpu.memory_space<hbm>> -> memref<1x40x125xi32, #tpu.memory_space<hbm>>
      %dma_start3A_12 = tpu.memref_squeeze %dma_start3A_11 : memref<1x40x125xi32, #tpu.memory_space<hbm>> -> memref<40x125xi32, #tpu.memory_space<hbm>>
      tpu.enqueue_dma source(%dma_start3A_12 : memref<40x125xi32, #tpu.memory_space<hbm>>) target(%arg5 : memref<40x125xi32, #tpu.memory_space<vmem>>) target_semaphore(%run_scoped3A : memref<!tpu.dma_semaphore, #tpu.memory_space<semaphore_mem>>)
      %dma_wait3A = arith.constant 0 : i32
      %dma_wait3A_13 = arith.constant 0 : i32
      %dma_wait3A_14 = tpu.memref_slice %arg3[%add3A, %dma_wait3A, %dma_wait3A_13] : memref<32x40x125xi32, #tpu.memory_space<hbm>> -> memref<1x40x125xi32, #tpu.memory_space<hbm>>
      %dma_wait3A_15 = tpu.memref_squeeze %dma_wait3A_14 : memref<1x40x125xi32, #tpu.memory_space<hbm>> -> memref<40x125xi32, #tpu.memory_space<hbm>>
      %dma_wait3A_16 = arith.constant 0 : i32
      %dma_wait3A_17 = arith.constant 0 : i32
      %dma_wait3A_18 = tpu.memref_slice %arg3[%add3A, %dma_wait3A_16, %dma_wait3A_17] : memref<32x40x125xi32, #tpu.memory_space<hbm>> -> memref<1x40x125xi32, #tpu.memory_space<hbm>>
      %dma_wait3A_19 = tpu.memref_squeeze %dma_wait3A_18 : memref<1x40x125xi32, #tpu.memory_space<hbm>> -> memref<40x125xi32, #tpu.memory_space<hbm>>
      tpu.wait_dma2 semaphore(%run_scoped3A : memref<!tpu.dma_semaphore, #tpu.memory_space<semaphore_mem>>) src(%dma_wait3A_19 : memref<40x125xi32, #tpu.memory_space<hbm>>) dst(%arg5 : memref<40x125xi32, #tpu.memory_space<vmem>>)
      tpu.yield
    }) : () -> ()
    %scan3A = arith.constant 0 : i32
    %scan3A_1 = arith.constant 0 : i32
    %scan3A_2 = arith.constant 5 : i32
    %scan3A_3 = arith.addi %scan3A_1, %scan3A_2 : i32
    %scan3A_4 = arith.constant 1 : i32
    scf.for %scan3A_6 = %scan3A_1 to %scan3A_3 step %scan3A_4  : i32 {
      %mul3A_7 = arith.constant 8 : i32
      %mul3A_8 = arith.muli %scan3A_6, %mul3A_7 : i32
      %add3A_9 = arith.constant 0 : i32
      %add3A_10 = arith.addi %mul3A_8, %add3A_9 : i32
      %dma_start3A = arith.constant 0 : i32
      %dma_start3A_11 = arith.constant 0 : i32
      %dma_start3A_12 = tpu.memref_slice %arg6[%dma_start3A, %dma_start3A_11] : memref<1000x32xf32, #tpu.memory_space<vmem>> -> memref<125x32xf32, #tpu.memory_space<vmem>>
      %dma_start3A_13 = arith.constant 0 : i32
      %dma_start3A_14 = tpu.memref_slice %arg5[%add3A_10, %dma_start3A_13] : memref<40x125xi32, #tpu.memory_space<vmem>> -> memref<1x125xi32, #tpu.memory_space<vmem>>
      %dma_start3A_15 = tpu.memref_squeeze %dma_start3A_14 : memref<1x125xi32, #tpu.memory_space<vmem>> -> memref<125xi32, #tpu.memory_space<vmem>>
      %dma_start3A_16 = arith.constant 0 : i32
      %dma_start3A_17 = arith.constant 0 : i32
      %dma_start3A_18 = tpu.memref_slice %arg2[%dma_start3A_16, %dma_start3A_17] : memref<10000x32xf32, #tpu.memory_space<hbm>> -> memref<10000x32xf32, #tpu.memory_space<hbm>>
      tpu.enqueue_indirect_dma source(%dma_start3A_18 : memref<10000x32xf32, #tpu.memory_space<hbm>>) target(%dma_start3A_12 : memref<125x32xf32, #tpu.memory_space<vmem>>) offsets(%dma_start3A_15 : memref<125xi32, #tpu.memory_space<vmem>>) semaphore(%arg7 : memref<!tpu.dma_semaphore, #tpu.memory_space<semaphore_mem>>)
      %mul3A_19 = arith.constant 8 : i32
      %mul3A_20 = arith.muli %scan3A_6, %mul3A_19 : i32
      %add3A_21 = arith.constant 1 : i32
      %add3A_22 = arith.addi %mul3A_20, %add3A_21 : i32
      %dma_start3A_23 = arith.constant 125 : i32
      %dma_start3A_24 = arith.constant 0 : i32
      %dma_start3A_25 = tpu.memref_slice %arg6[%dma_start3A_23, %dma_start3A_24] : memref<1000x32xf32, #tpu.memory_space<vmem>> -> memref<125x32xf32, #tpu.memory_space<vmem>>
      %dma_start3A_26 = arith.constant 0 : i32
      %dma_start3A_27 = tpu.memref_slice %arg5[%add3A_22, %dma_start3A_26] : memref<40x125xi32, #tpu.memory_space<vmem>> -> memref<1x125xi32, #tpu.memory_space<vmem>>
      %dma_start3A_28 = tpu.memref_squeeze %dma_start3A_27 : memref<1x125xi32, #tpu.memory_space<vmem>> -> memref<125xi32, #tpu.memory_space<vmem>>
      %dma_start3A_29 = arith.constant 0 : i32
      %dma_start3A_30 = arith.constant 0 : i32
      %dma_start3A_31 = tpu.memref_slice %arg2[%dma_start3A_29, %dma_start3A_30] : memref<10000x32xf32, #tpu.memory_space<hbm>> -> memref<10000x32xf32, #tpu.memory_space<hbm>>
      tpu.enqueue_indirect_dma source(%dma_start3A_31 : memref<10000x32xf32, #tpu.memory_space<hbm>>) target(%dma_start3A_25 : memref<125x32xf32, #tpu.memory_space<vmem>>) offsets(%dma_start3A_28 : memref<125xi32, #tpu.memory_space<vmem>>) semaphore(%arg7 : memref<!tpu.dma_semaphore, #tpu.memory_space<semaphore_mem>>)
      %mul3A_32 = arith.constant 8 : i32
      %mul3A_33 = arith.muli %scan3A_6, %mul3A_32 : i32
      %add3A_34 = arith.constant 2 : i32
      %add3A_35 = arith.addi %mul3A_33, %add3A_34 : i32
      %dma_start3A_36 = arith.constant 250 : i32
      %dma_start3A_37 = arith.constant 0 : i32
      %dma_start3A_38 = tpu.memref_slice %arg6[%dma_start3A_36, %dma_start3A_37] : memref<1000x32xf32, #tpu.memory_space<vmem>> -> memref<125x32xf32, #tpu.memory_space<vmem>>
      %dma_start3A_39 = arith.constant 0 : i32
      %dma_start3A_40 = tpu.memref_slice %arg5[%add3A_35, %dma_start3A_39] : memref<40x125xi32, #tpu.memory_space<vmem>> -> memref<1x125xi32, #tpu.memory_space<vmem>>
      %dma_start3A_41 = tpu.memref_squeeze %dma_start3A_40 : memref<1x125xi32, #tpu.memory_space<vmem>> -> memref<125xi32, #tpu.memory_space<vmem>>
      %dma_start3A_42 = arith.constant 0 : i32
      %dma_start3A_43 = arith.constant 0 : i32
      %dma_start3A_44 = tpu.memref_slice %arg2[%dma_start3A_42, %dma_start3A_43] : memref<10000x32xf32, #tpu.memory_space<hbm>> -> memref<10000x32xf32, #tpu.memory_space<hbm>>
      tpu.enqueue_indirect_dma source(%dma_start3A_44 : memref<10000x32xf32, #tpu.memory_space<hbm>>) target(%dma_start3A_38 : memref<125x32xf32, #tpu.memory_space<vmem>>) offsets(%dma_start3A_41 : memref<125xi32, #tpu.memory_space<vmem>>) semaphore(%arg7 : memref<!tpu.dma_semaphore, #tpu.memory_space<semaphore_mem>>)
      %mul3A_45 = arith.constant 8 : i32
      %mul3A_46 = arith.muli %scan3A_6, %mul3A_45 : i32
      %add3A_47 = arith.constant 3 : i32
      %add3A_48 = arith.addi %mul3A_46, %add3A_47 : i32
      %dma_start3A_49 = arith.constant 375 : i32
      %dma_start3A_50 = arith.constant 0 : i32
      %dma_start3A_51 = tpu.memref_slice %arg6[%dma_start3A_49, %dma_start3A_50] : memref<1000x32xf32, #tpu.memory_space<vmem>> -> memref<125x32xf32, #tpu.memory_space<vmem>>
      %dma_start3A_52 = arith.constant 0 : i32
      %dma_start3A_53 = tpu.memref_slice %arg5[%add3A_48, %dma_start3A_52] : memref<40x125xi32, #tpu.memory_space<vmem>> -> memref<1x125xi32, #tpu.memory_space<vmem>>
      %dma_start3A_54 = tpu.memref_squeeze %dma_start3A_53 : memref<1x125xi32, #tpu.memory_space<vmem>> -> memref<125xi32, #tpu.memory_space<vmem>>
      %dma_start3A_55 = arith.constant 0 : i32
      %dma_start3A_56 = arith.constant 0 : i32
      %dma_start3A_57 = tpu.memref_slice %arg2[%dma_start3A_55, %dma_start3A_56] : memref<10000x32xf32, #tpu.memory_space<hbm>> -> memref<10000x32xf32, #tpu.memory_space<hbm>>
      tpu.enqueue_indirect_dma source(%dma_start3A_57 : memref<10000x32xf32, #tpu.memory_space<hbm>>) target(%dma_start3A_51 : memref<125x32xf32, #tpu.memory_space<vmem>>) offsets(%dma_start3A_54 : memref<125xi32, #tpu.memory_space<vmem>>) semaphore(%arg7 : memref<!tpu.dma_semaphore, #tpu.memory_space<semaphore_mem>>)
      %mul3A_58 = arith.constant 8 : i32
      %mul3A_59 = arith.muli %scan3A_6, %mul3A_58 : i32
      %add3A_60 = arith.constant 4 : i32
      %add3A_61 = arith.addi %mul3A_59, %add3A_60 : i32
      %dma_start3A_62 = arith.constant 500 : i32
      %dma_start3A_63 = arith.constant 0 : i32
      %dma_start3A_64 = tpu.memref_slice %arg6[%dma_start3A_62, %dma_start3A_63] : memref<1000x32xf32, #tpu.memory_space<vmem>> -> memref<125x32xf32, #tpu.memory_space<vmem>>
      %dma_start3A_65 = arith.constant 0 : i32
      %dma_start3A_66 = tpu.memref_slice %arg5[%add3A_61, %dma_start3A_65] : memref<40x125xi32, #tpu.memory_space<vmem>> -> memref<1x125xi32, #tpu.memory_space<vmem>>
      %dma_start3A_67 = tpu.memref_squeeze %dma_start3A_66 : memref<1x125xi32, #tpu.memory_space<vmem>> -> memref<125xi32, #tpu.memory_space<vmem>>
      %dma_start3A_68 = arith.constant 0 : i32
      %dma_start3A_69 = arith.constant 0 : i32
      %dma_start3A_70 = tpu.memref_slice %arg2[%dma_start3A_68, %dma_start3A_69] : memref<10000x32xf32, #tpu.memory_space<hbm>> -> memref<10000x32xf32, #tpu.memory_space<hbm>>
      tpu.enqueue_indirect_dma source(%dma_start3A_70 : memref<10000x32xf32, #tpu.memory_space<hbm>>) target(%dma_start3A_64 : memref<125x32xf32, #tpu.memory_space<vmem>>) offsets(%dma_start3A_67 : memref<125xi32, #tpu.memory_space<vmem>>) semaphore(%arg7 : memref<!tpu.dma_semaphore, #tpu.memory_space<semaphore_mem>>)
      %mul3A_71 = arith.constant 8 : i32
      %mul3A_72 = arith.muli %scan3A_6, %mul3A_71 : i32
      %add3A_73 = arith.constant 5 : i32
      %add3A_74 = arith.addi %mul3A_72, %add3A_73 : i32
      %dma_start3A_75 = arith.constant 625 : i32
      %dma_start3A_76 = arith.constant 0 : i32
      %dma_start3A_77 = tpu.memref_slice %arg6[%dma_start3A_75, %dma_start3A_76] : memref<1000x32xf32, #tpu.memory_space<vmem>> -> memref<125x32xf32, #tpu.memory_space<vmem>>
      %dma_start3A_78 = arith.constant 0 : i32
      %dma_start3A_79 = tpu.memref_slice %arg5[%add3A_74, %dma_start3A_78] : memref<40x125xi32, #tpu.memory_space<vmem>> -> memref<1x125xi32, #tpu.memory_space<vmem>>
      %dma_start3A_80 = tpu.memref_squeeze %dma_start3A_79 : memref<1x125xi32, #tpu.memory_space<vmem>> -> memref<125xi32, #tpu.memory_space<vmem>>
      %dma_start3A_81 = arith.constant 0 : i32
      %dma_start3A_82 = arith.constant 0 : i32
      %dma_start3A_83 = tpu.memref_slice %arg2[%dma_start3A_81, %dma_start3A_82] : memref<10000x32xf32, #tpu.memory_space<hbm>> -> memref<10000x32xf32, #tpu.memory_space<hbm>>
      tpu.enqueue_indirect_dma source(%dma_start3A_83 : memref<10000x32xf32, #tpu.memory_space<hbm>>) target(%dma_start3A_77 : memref<125x32xf32, #tpu.memory_space<vmem>>) offsets(%dma_start3A_80 : memref<125xi32, #tpu.memory_space<vmem>>) semaphore(%arg7 : memref<!tpu.dma_semaphore, #tpu.memory_space<semaphore_mem>>)
      %mul3A_84 = arith.constant 8 : i32
      %mul3A_85 = arith.muli %scan3A_6, %mul3A_84 : i32
      %add3A_86 = arith.constant 6 : i32
      %add3A_87 = arith.addi %mul3A_85, %add3A_86 : i32
      %dma_start3A_88 = arith.constant 750 : i32
      %dma_start3A_89 = arith.constant 0 : i32
      %dma_start3A_90 = tpu.memref_slice %arg6[%dma_start3A_88, %dma_start3A_89] : memref<1000x32xf32, #tpu.memory_space<vmem>> -> memref<125x32xf32, #tpu.memory_space<vmem>>
      %dma_start3A_91 = arith.constant 0 : i32
      %dma_start3A_92 = tpu.memref_slice %arg5[%add3A_87, %dma_start3A_91] : memref<40x125xi32, #tpu.memory_space<vmem>> -> memref<1x125xi32, #tpu.memory_space<vmem>>
      %dma_start3A_93 = tpu.memref_squeeze %dma_start3A_92 : memref<1x125xi32, #tpu.memory_space<vmem>> -> memref<125xi32, #tpu.memory_space<vmem>>
      %dma_start3A_94 = arith.constant 0 : i32
      %dma_start3A_95 = arith.constant 0 : i32
      %dma_start3A_96 = tpu.memref_slice %arg2[%dma_start3A_94, %dma_start3A_95] : memref<10000x32xf32, #tpu.memory_space<hbm>> -> memref<10000x32xf32, #tpu.memory_space<hbm>>
      tpu.enqueue_indirect_dma source(%dma_start3A_96 : memref<10000x32xf32, #tpu.memory_space<hbm>>) target(%dma_start3A_90 : memref<125x32xf32, #tpu.memory_space<vmem>>) offsets(%dma_start3A_93 : memref<125xi32, #tpu.memory_space<vmem>>) semaphore(%arg7 : memref<!tpu.dma_semaphore, #tpu.memory_space<semaphore_mem>>)
      %mul3A_97 = arith.constant 8 : i32
      %mul3A_98 = arith.muli %scan3A_6, %mul3A_97 : i32
      %add3A_99 = arith.constant 7 : i32
      %add3A_100 = arith.addi %mul3A_98, %add3A_99 : i32
      %dma_start3A_101 = arith.constant 875 : i32
      %dma_start3A_102 = arith.constant 0 : i32
      %dma_start3A_103 = tpu.memref_slice %arg6[%dma_start3A_101, %dma_start3A_102] : memref<1000x32xf32, #tpu.memory_space<vmem>> -> memref<125x32xf32, #tpu.memory_space<vmem>>
      %dma_start3A_104 = arith.constant 0 : i32
      %dma_start3A_105 = tpu.memref_slice %arg5[%add3A_100, %dma_start3A_104] : memref<40x125xi32, #tpu.memory_space<vmem>> -> memref<1x125xi32, #tpu.memory_space<vmem>>
      %dma_start3A_106 = tpu.memref_squeeze %dma_start3A_105 : memref<1x125xi32, #tpu.memory_space<vmem>> -> memref<125xi32, #tpu.memory_space<vmem>>
      %dma_start3A_107 = arith.constant 0 : i32
      %dma_start3A_108 = arith.constant 0 : i32
      %dma_start3A_109 = tpu.memref_slice %arg2[%dma_start3A_107, %dma_start3A_108] : memref<10000x32xf32, #tpu.memory_space<hbm>> -> memref<10000x32xf32, #tpu.memory_space<hbm>>
      tpu.enqueue_indirect_dma source(%dma_start3A_109 : memref<10000x32xf32, #tpu.memory_space<hbm>>) target(%dma_start3A_103 : memref<125x32xf32, #tpu.memory_space<vmem>>) offsets(%dma_start3A_106 : memref<125xi32, #tpu.memory_space<vmem>>) semaphore(%arg7 : memref<!tpu.dma_semaphore, #tpu.memory_space<semaphore_mem>>)
      %dma_wait3A = arith.constant 0 : i32
      %dma_wait3A_110 = arith.constant 0 : i32
      %dma_wait3A_111 = tpu.memref_slice %arg6[%dma_wait3A, %dma_wait3A_110] : memref<1000x32xf32, #tpu.memory_space<vmem>> -> memref<125x32xf32, #tpu.memory_space<vmem>>
      %dma_wait3A_112 = arith.constant 0 : i32
      %dma_wait3A_113 = tpu.memref_slice %arg5[%add3A_10, %dma_wait3A_112] : memref<40x125xi32, #tpu.memory_space<vmem>> -> memref<1x125xi32, #tpu.memory_space<vmem>>
      %dma_wait3A_114 = tpu.memref_squeeze %dma_wait3A_113 : memref<1x125xi32, #tpu.memory_space<vmem>> -> memref<125xi32, #tpu.memory_space<vmem>>
      %dma_wait3A_115 = arith.constant 0 : i32
      %dma_wait3A_116 = arith.constant 0 : i32
      %dma_wait3A_117 = tpu.memref_slice %arg2[%dma_wait3A_115, %dma_wait3A_116] : memref<10000x32xf32, #tpu.memory_space<hbm>> -> memref<10000x32xf32, #tpu.memory_space<hbm>>
      tpu.wait_indirect_dma semaphore(%arg7 : memref<!tpu.dma_semaphore, #tpu.memory_space<semaphore_mem>>) src(%dma_wait3A_117 : memref<10000x32xf32, #tpu.memory_space<hbm>>) dst(%dma_wait3A_111 : memref<125x32xf32, #tpu.memory_space<vmem>>)
      %dma_wait3A_118 = arith.constant 125 : i32
      %dma_wait3A_119 = arith.constant 0 : i32
      %dma_wait3A_120 = tpu.memref_slice %arg6[%dma_wait3A_118, %dma_wait3A_119] : memref<1000x32xf32, #tpu.memory_space<vmem>> -> memref<125x32xf32, #tpu.memory_space<vmem>>
      %dma_wait3A_121 = arith.constant 0 : i32
      %dma_wait3A_122 = tpu.memref_slice %arg5[%add3A_22, %dma_wait3A_121] : memref<40x125xi32, #tpu.memory_space<vmem>> -> memref<1x125xi32, #tpu.memory_space<vmem>>
      %dma_wait3A_123 = tpu.memref_squeeze %dma_wait3A_122 : memref<1x125xi32, #tpu.memory_space<vmem>> -> memref<125xi32, #tpu.memory_space<vmem>>
      %dma_wait3A_124 = arith.constant 0 : i32
      %dma_wait3A_125 = arith.constant 0 : i32
      %dma_wait3A_126 = tpu.memref_slice %arg2[%dma_wait3A_124, %dma_wait3A_125] : memref<10000x32xf32, #tpu.memory_space<hbm>> -> memref<10000x32xf32, #tpu.memory_space<hbm>>
      tpu.wait_indirect_dma semaphore(%arg7 : memref<!tpu.dma_semaphore, #tpu.memory_space<semaphore_mem>>) src(%dma_wait3A_126 : memref<10000x32xf32, #tpu.memory_space<hbm>>) dst(%dma_wait3A_120 : memref<125x32xf32, #tpu.memory_space<vmem>>)
      %dma_wait3A_127 = arith.constant 250 : i32
      %dma_wait3A_128 = arith.constant 0 : i32
      %dma_wait3A_129 = tpu.memref_slice %arg6[%dma_wait3A_127, %dma_wait3A_128] : memref<1000x32xf32, #tpu.memory_space<vmem>> -> memref<125x32xf32, #tpu.memory_space<vmem>>
      %dma_wait3A_130 = arith.constant 0 : i32
      %dma_wait3A_131 = tpu.memref_slice %arg5[%add3A_35, %dma_wait3A_130] : memref<40x125xi32, #tpu.memory_space<vmem>> -> memref<1x125xi32, #tpu.memory_space<vmem>>
      %dma_wait3A_132 = tpu.memref_squeeze %dma_wait3A_131 : memref<1x125xi32, #tpu.memory_space<vmem>> -> memref<125xi32, #tpu.memory_space<vmem>>
      %dma_wait3A_133 = arith.constant 0 : i32
      %dma_wait3A_134 = arith.constant 0 : i32
      %dma_wait3A_135 = tpu.memref_slice %arg2[%dma_wait3A_133, %dma_wait3A_134] : memref<10000x32xf32, #tpu.memory_space<hbm>> -> memref<10000x32xf32, #tpu.memory_space<hbm>>
      tpu.wait_indirect_dma semaphore(%arg7 : memref<!tpu.dma_semaphore, #tpu.memory_space<semaphore_mem>>) src(%dma_wait3A_135 : memref<10000x32xf32, #tpu.memory_space<hbm>>) dst(%dma_wait3A_129 : memref<125x32xf32, #tpu.memory_space<vmem>>)
      %dma_wait3A_136 = arith.constant 375 : i32
      %dma_wait3A_137 = arith.constant 0 : i32
      %dma_wait3A_138 = tpu.memref_slice %arg6[%dma_wait3A_136, %dma_wait3A_137] : memref<1000x32xf32, #tpu.memory_space<vmem>> -> memref<125x32xf32, #tpu.memory_space<vmem>>
      %dma_wait3A_139 = arith.constant 0 : i32
      %dma_wait3A_140 = tpu.memref_slice %arg5[%add3A_48, %dma_wait3A_139] : memref<40x125xi32, #tpu.memory_space<vmem>> -> memref<1x125xi32, #tpu.memory_space<vmem>>
      %dma_wait3A_141 = tpu.memref_squeeze %dma_wait3A_140 : memref<1x125xi32, #tpu.memory_space<vmem>> -> memref<125xi32, #tpu.memory_space<vmem>>
      %dma_wait3A_142 = arith.constant 0 : i32
      %dma_wait3A_143 = arith.constant 0 : i32
      %dma_wait3A_144 = tpu.memref_slice %arg2[%dma_wait3A_142, %dma_wait3A_143] : memref<10000x32xf32, #tpu.memory_space<hbm>> -> memref<10000x32xf32, #tpu.memory_space<hbm>>
      tpu.wait_indirect_dma semaphore(%arg7 : memref<!tpu.dma_semaphore, #tpu.memory_space<semaphore_mem>>) src(%dma_wait3A_144 : memref<10000x32xf32, #tpu.memory_space<hbm>>) dst(%dma_wait3A_138 : memref<125x32xf32, #tpu.memory_space<vmem>>)
      %dma_wait3A_145 = arith.constant 500 : i32
      %dma_wait3A_146 = arith.constant 0 : i32
      %dma_wait3A_147 = tpu.memref_slice %arg6[%dma_wait3A_145, %dma_wait3A_146] : memref<1000x32xf32, #tpu.memory_space<vmem>> -> memref<125x32xf32, #tpu.memory_space<vmem>>
      %dma_wait3A_148 = arith.constant 0 : i32
      %dma_wait3A_149 = tpu.memref_slice %arg5[%add3A_61, %dma_wait3A_148] : memref<40x125xi32, #tpu.memory_space<vmem>> -> memref<1x125xi32, #tpu.memory_space<vmem>>
      %dma_wait3A_150 = tpu.memref_squeeze %dma_wait3A_149 : memref<1x125xi32, #tpu.memory_space<vmem>> -> memref<125xi32, #tpu.memory_space<vmem>>
      %dma_wait3A_151 = arith.constant 0 : i32
      %dma_wait3A_152 = arith.constant 0 : i32
      %dma_wait3A_153 = tpu.memref_slice %arg2[%dma_wait3A_151, %dma_wait3A_152] : memref<10000x32xf32, #tpu.memory_space<hbm>> -> memref<10000x32xf32, #tpu.memory_space<hbm>>
      tpu.wait_indirect_dma semaphore(%arg7 : memref<!tpu.dma_semaphore, #tpu.memory_space<semaphore_mem>>) src(%dma_wait3A_153 : memref<10000x32xf32, #tpu.memory_space<hbm>>) dst(%dma_wait3A_147 : memref<125x32xf32, #tpu.memory_space<vmem>>)
      %dma_wait3A_154 = arith.constant 625 : i32
      %dma_wait3A_155 = arith.constant 0 : i32
      %dma_wait3A_156 = tpu.memref_slice %arg6[%dma_wait3A_154, %dma_wait3A_155] : memref<1000x32xf32, #tpu.memory_space<vmem>> -> memref<125x32xf32, #tpu.memory_space<vmem>>
      %dma_wait3A_157 = arith.constant 0 : i32
      %dma_wait3A_158 = tpu.memref_slice %arg5[%add3A_74, %dma_wait3A_157] : memref<40x125xi32, #tpu.memory_space<vmem>> -> memref<1x125xi32, #tpu.memory_space<vmem>>
      %dma_wait3A_159 = tpu.memref_squeeze %dma_wait3A_158 : memref<1x125xi32, #tpu.memory_space<vmem>> -> memref<125xi32, #tpu.memory_space<vmem>>
      %dma_wait3A_160 = arith.constant 0 : i32
      %dma_wait3A_161 = arith.constant 0 : i32
      %dma_wait3A_162 = tpu.memref_slice %arg2[%dma_wait3A_160, %dma_wait3A_161] : memref<10000x32xf32, #tpu.memory_space<hbm>> -> memref<10000x32xf32, #tpu.memory_space<hbm>>
      tpu.wait_indirect_dma semaphore(%arg7 : memref<!tpu.dma_semaphore, #tpu.memory_space<semaphore_mem>>) src(%dma_wait3A_162 : memref<10000x32xf32, #tpu.memory_space<hbm>>) dst(%dma_wait3A_156 : memref<125x32xf32, #tpu.memory_space<vmem>>)
      %dma_wait3A_163 = arith.constant 750 : i32
      %dma_wait3A_164 = arith.constant 0 : i32
      %dma_wait3A_165 = tpu.memref_slice %arg6[%dma_wait3A_163, %dma_wait3A_164] : memref<1000x32xf32, #tpu.memory_space<vmem>> -> memref<125x32xf32, #tpu.memory_space<vmem>>
      %dma_wait3A_166 = arith.constant 0 : i32
      %dma_wait3A_167 = tpu.memref_slice %arg5[%add3A_87, %dma_wait3A_166] : memref<40x125xi32, #tpu.memory_space<vmem>> -> memref<1x125xi32, #tpu.memory_space<vmem>>
      %dma_wait3A_168 = tpu.memref_squeeze %dma_wait3A_167 : memref<1x125xi32, #tpu.memory_space<vmem>> -> memref<125xi32, #tpu.memory_space<vmem>>
      %dma_wait3A_169 = arith.constant 0 : i32
      %dma_wait3A_170 = arith.constant 0 : i32
      %dma_wait3A_171 = tpu.memref_slice %arg2[%dma_wait3A_169, %dma_wait3A_170] : memref<10000x32xf32, #tpu.memory_space<hbm>> -> memref<10000x32xf32, #tpu.memory_space<hbm>>
      tpu.wait_indirect_dma semaphore(%arg7 : memref<!tpu.dma_semaphore, #tpu.memory_space<semaphore_mem>>) src(%dma_wait3A_171 : memref<10000x32xf32, #tpu.memory_space<hbm>>) dst(%dma_wait3A_165 : memref<125x32xf32, #tpu.memory_space<vmem>>)
      %dma_wait3A_172 = arith.constant 875 : i32
      %dma_wait3A_173 = arith.constant 0 : i32
      %dma_wait3A_174 = tpu.memref_slice %arg6[%dma_wait3A_172, %dma_wait3A_173] : memref<1000x32xf32, #tpu.memory_space<vmem>> -> memref<125x32xf32, #tpu.memory_space<vmem>>
      %dma_wait3A_175 = arith.constant 0 : i32
      %dma_wait3A_176 = tpu.memref_slice %arg5[%add3A_100, %dma_wait3A_175] : memref<40x125xi32, #tpu.memory_space<vmem>> -> memref<1x125xi32, #tpu.memory_space<vmem>>
      %dma_wait3A_177 = tpu.memref_squeeze %dma_wait3A_176 : memref<1x125xi32, #tpu.memory_space<vmem>> -> memref<125xi32, #tpu.memory_space<vmem>>
      %dma_wait3A_178 = arith.constant 0 : i32
      %dma_wait3A_179 = arith.constant 0 : i32
      %dma_wait3A_180 = tpu.memref_slice %arg2[%dma_wait3A_178, %dma_wait3A_179] : memref<10000x32xf32, #tpu.memory_space<hbm>> -> memref<10000x32xf32, #tpu.memory_space<hbm>>
      tpu.wait_indirect_dma semaphore(%arg7 : memref<!tpu.dma_semaphore, #tpu.memory_space<semaphore_mem>>) src(%dma_wait3A_180 : memref<10000x32xf32, #tpu.memory_space<hbm>>) dst(%dma_wait3A_174 : memref<125x32xf32, #tpu.memory_space<vmem>>)
      %mul3A_181 = arith.constant 5000 : i32
      %mul3A_182 = arith.muli %add3A, %mul3A_181 : i32
      %mul3A_183 = arith.constant 1000 : i32
      %mul3A_184 = arith.muli %scan3A_6, %mul3A_183 : i32
      %add3A_185 = arith.addi %mul3A_182, %mul3A_184 : i32
      "tpu.region"() ({
        %run_scoped3A = tpu.sem_alloc : memref<!tpu.dma_semaphore, #tpu.memory_space<semaphore_mem>>
        %dma_start3A_186 = arith.constant 0 : i32
        %dma_start3A_187 = tpu.memref_slice %arg4[%add3A_185, %dma_start3A_186] : memref<160000x32xf32, #tpu.memory_space<hbm>> -> memref<1000x32xf32, #tpu.memory_space<hbm>>
        %dma_start3A_188 = arith.constant 0 : i32
        %dma_start3A_189 = tpu.memref_slice %arg4[%add3A_185, %dma_start3A_188] : memref<160000x32xf32, #tpu.memory_space<hbm>> -> memref<1000x32xf32, #tpu.memory_space<hbm>>
        tpu.enqueue_dma source(%arg6 : memref<1000x32xf32, #tpu.memory_space<vmem>>) target(%dma_start3A_189 : memref<1000x32xf32, #tpu.memory_space<hbm>>) target_semaphore(%run_scoped3A : memref<!tpu.dma_semaphore, #tpu.memory_space<semaphore_mem>>)
        %dma_wait3A_190 = arith.constant 0 : i32
        %dma_wait3A_191 = tpu.memref_slice %arg4[%add3A_185, %dma_wait3A_190] : memref<160000x32xf32, #tpu.memory_space<hbm>> -> memref<1000x32xf32, #tpu.memory_space<hbm>>
        %dma_wait3A_192 = arith.constant 0 : i32
        %dma_wait3A_193 = tpu.memref_slice %arg4[%add3A_185, %dma_wait3A_192] : memref<160000x32xf32, #tpu.memory_space<hbm>> -> memref<1000x32xf32, #tpu.memory_space<hbm>>
        tpu.wait_dma2 semaphore(%run_scoped3A : memref<!tpu.dma_semaphore, #tpu.memory_space<semaphore_mem>>) src(%arg6 : memref<1000x32xf32, #tpu.memory_space<vmem>>) dst(%dma_wait3A_193 : memref<1000x32xf32, #tpu.memory_space<hbm>>)
        tpu.yield
      }) : () -> ()
    }
    %scan3A_5 = arith.constant 5 : i32
    return
  }
}

module attributes {stable_mosaic.version = 14 : i64} {
  func.func @_lin0_body(%arg0: memref<10000x128xf32, #tpu.memory_space<vmem>>, %arg1: memref<128x32xf32, #tpu.memory_space<vmem>>, %arg2: memref<1x32xf32, #tpu.memory_space<vmem>>, %arg3: memref<1x32xf32, #tpu.memory_space<vmem>>, %arg4: memref<1x32xf32, #tpu.memory_space<vmem>>, %arg5: memref<10000x32xf32, #tpu.memory_space<vmem>>) attributes {dimension_semantics = [], scalar_prefetch = 0 : i64, scratch_operands = 0 : i64, tpu.core_type = #tpu.core_type<tc>} {
    %get3A = arith.constant 0 : index
    %get3A_0 = arith.constant 0 : index
    %get3A_1 = vector.load %arg0[%get3A, %get3A_0] : memref<10000x128xf32, #tpu.memory_space<vmem>>, vector<10000x128xf32>
    %get3A_2 = arith.constant 0 : index
    %get3A_3 = arith.constant 0 : index
    %get3A_4 = vector.load %arg1[%get3A_2, %get3A_3] : memref<128x32xf32, #tpu.memory_space<vmem>>, vector<128x32xf32>
    %dot_general3A = arith.constant dense<0.000000e+00> : vector<10000x32xf32>
    %dot_general3A_5 = tpu.matmul %get3A_1, %get3A_4, %dot_general3A {dimension_numbers = #tpu.dot_dimension_numbers<[1], [0], [0], [1], [0, 0, 1, 1], [], []>, transpose_lhs_hint = false} : vector<10000x128xf32>, vector<128x32xf32>, vector<10000x32xf32> -> vector<10000x32xf32>
    %get3A_6 = arith.constant 0 : index
    %get3A_7 = arith.constant 0 : index
    %get3A_8 = vector.load %arg2[%get3A_6, %get3A_7] : memref<1x32xf32, #tpu.memory_space<vmem>>, vector<1x32xf32>
    %add3A = vector.broadcast %get3A_8 : vector<1x32xf32> to vector<10000x32xf32>
    %add3A_9 = arith.addf %dot_general3A_5, %add3A : vector<10000x32xf32>
    %reduce_sum3A = arith.constant dense<0.000000e+00> : vector<32xf32>
    %reduce_sum3A_10 = vector.multi_reduction <add>, %add3A_9, %reduce_sum3A [0] : vector<10000x32xf32> to vector<32xf32>
    %broadcast_in_dim3A = vector.shape_cast %reduce_sum3A_10 : vector<32xf32> to vector<1x32xf32>
    %div3A = arith.constant 1.000000e+04 : f32
    %div3A_11 = vector.broadcast %div3A : f32 to vector<1x32xf32>
    %div3A_12 = arith.divf %broadcast_in_dim3A, %div3A_11 : vector<1x32xf32>
    %sub3A = vector.broadcast %div3A_12 : vector<1x32xf32> to vector<10000x32xf32>
    %sub3A_13 = arith.subf %add3A_9, %sub3A : vector<10000x32xf32>
    %mul3A = arith.mulf %sub3A_13, %sub3A_13 : vector<10000x32xf32>
    %reduce_sum3A_14 = arith.constant dense<0.000000e+00> : vector<32xf32>
    %reduce_sum3A_15 = vector.multi_reduction <add>, %mul3A, %reduce_sum3A_14 [0] : vector<10000x32xf32> to vector<32xf32>
    %broadcast_in_dim3A_16 = vector.shape_cast %reduce_sum3A_15 : vector<32xf32> to vector<1x32xf32>
    %div3A_17 = arith.constant 1.000000e+04 : f32
    %div3A_18 = vector.broadcast %div3A_17 : f32 to vector<1x32xf32>
    %div3A_19 = arith.divf %broadcast_in_dim3A_16, %div3A_18 : vector<1x32xf32>
    %add3A_20 = arith.constant 9.99999974E-6 : f32
    %add3A_21 = vector.broadcast %add3A_20 : f32 to vector<1x32xf32>
    %add3A_22 = arith.addf %div3A_19, %add3A_21 : vector<1x32xf32>
    %rsqrt3A = math.rsqrt %add3A_22 : vector<1x32xf32>
    %mul3A_23 = vector.broadcast %rsqrt3A : vector<1x32xf32> to vector<10000x32xf32>
    %mul3A_24 = arith.mulf %sub3A_13, %mul3A_23 : vector<10000x32xf32>
    %get3A_25 = arith.constant 0 : index
    %get3A_26 = arith.constant 0 : index
    %get3A_27 = vector.load %arg3[%get3A_25, %get3A_26] : memref<1x32xf32, #tpu.memory_space<vmem>>, vector<1x32xf32>
    %mul3A_28 = vector.broadcast %get3A_27 : vector<1x32xf32> to vector<10000x32xf32>
    %mul3A_29 = arith.mulf %mul3A_24, %mul3A_28 : vector<10000x32xf32>
    %get3A_30 = arith.constant 0 : index
    %get3A_31 = arith.constant 0 : index
    %get3A_32 = vector.load %arg4[%get3A_30, %get3A_31] : memref<1x32xf32, #tpu.memory_space<vmem>>, vector<1x32xf32>
    %add3A_33 = vector.broadcast %get3A_32 : vector<1x32xf32> to vector<10000x32xf32>
    %add3A_34 = arith.addf %mul3A_29, %add3A_33 : vector<10000x32xf32>
    %max3A = arith.constant 0.000000e+00 : f32
    %max3A_35 = vector.broadcast %max3A : f32 to vector<10000x32xf32>
    %max3A_36 = arith.maximumf %add3A_34, %max3A_35 : vector<10000x32xf32>
    %swap3A = arith.constant 0 : index
    %swap3A_37 = arith.constant 0 : index
    %swap3A_38 = vector.load %arg5[%swap3A, %swap3A_37] : memref<10000x32xf32, #tpu.memory_space<vmem>>, vector<10000x32xf32>
    tpu.vector_store %arg5[%swap3A, %swap3A_37], %max3A_36 {strides = array<i32>} : memref<10000x32xf32, #tpu.memory_space<vmem>>, vector<10000x32xf32>,
    return
  }
}

module attributes {stable_mosaic.version = 14 : i64} {
  func.func @_stats_body(%arg0: i32, %arg1: memref<2000x128xf32, #tpu.memory_space<vmem>>, %arg2: memref<16x32xf32, #tpu.memory_space<vmem>>, %arg3: memref<1x32xf32, #tpu.memory_space<vmem>>, %arg4: memref<1x32xf32, #tpu.memory_space<vmem>>, %arg5: memref<1x32xf32, #tpu.memory_space<vmem>>, %arg6: memref<1x256xf32, #tpu.memory_space<vmem>>, %arg7: memref<1x256xf32, #tpu.memory_space<vmem>>, %arg8: memref<128x128xf32, #tpu.memory_space<vmem>>, %arg9: memref<1x128xf32, #tpu.memory_space<vmem>>) attributes {dimension_semantics = [#tpu.dimension_semantics<arbitrary>], iteration_bounds = array<i64: 10>, scalar_prefetch = 0 : i64, scratch_operands = 2 : i64, tpu.core_type = #tpu.core_type<tc>, window_params = [{transform_indices = @transform_0, window_bounds = array<i64: 2000, 128>}, {pipeline_mode = #tpu.pipeline_mode<synchronous>, transform_indices = @transform_1, window_bounds = array<i64: 16, 32>}, {pipeline_mode = #tpu.pipeline_mode<synchronous>, transform_indices = @transform_2, window_bounds = array<i64: 1, 32>}, {pipeline_mode = #tpu.pipeline_mode<synchronous>, transform_indices = @transform_3, window_bounds = array<i64: 1, 32>}, {pipeline_mode = #tpu.pipeline_mode<synchronous>, transform_indices = @transform_4, window_bounds = array<i64: 1, 32>}, {pipeline_mode = #tpu.pipeline_mode<synchronous>, transform_indices = @transform_5, window_bounds = array<i64: 1, 256>}, {pipeline_mode = #tpu.pipeline_mode<synchronous>, transform_indices = @transform_6, window_bounds = array<i64: 1, 256>}]} {
    %get3A = arith.constant 0 : index
    %get3A_0 = arith.constant 0 : index
    %get3A_1 = vector.load %arg1[%get3A, %get3A_0] : memref<2000x128xf32, #tpu.memory_space<vmem>>, vector<2000x128xf32>
    %eq3A = arith.constant 0 : i32
    %eq3A_2 = arith.cmpi eq, %arg0, %eq3A : i32
    %convert_element_type3A = arith.extui %eq3A_2 : i1 to i32
    %cond3A = arith.constant 0 : i32
    %cond3A_3 = arith.cmpi ne, %convert_element_type3A, %cond3A : i32
    scf.if %cond3A_3 {
      %broadcast_in_dim3A_23 = arith.constant 0.000000e+00 : f32
      %broadcast_in_dim3A_24 = vector.broadcast %broadcast_in_dim3A_23 : f32 to vector<128x128xf32>
      %swap3A_25 = arith.constant 0 : index
      %swap3A_26 = arith.constant 0 : index
      %swap3A_27 = vector.load %arg8[%swap3A_25, %swap3A_26] : memref<128x128xf32, #tpu.memory_space<vmem>>, vector<128x128xf32>
      tpu.vector_store %arg8[%swap3A_25, %swap3A_26], %broadcast_in_dim3A_24 {strides = array<i32>} : memref<128x128xf32, #tpu.memory_space<vmem>>, vector<128x128xf32>,
      %broadcast_in_dim3A_28 = arith.constant 0.000000e+00 : f32
      %broadcast_in_dim3A_29 = vector.broadcast %broadcast_in_dim3A_28 : f32 to vector<1x128xf32>
      %swap3A_30 = arith.constant 0 : index
      %swap3A_31 = arith.constant 0 : index
      %swap3A_32 = vector.load %arg9[%swap3A_30, %swap3A_31] : memref<1x128xf32, #tpu.memory_space<vmem>>, vector<1x128xf32>
      tpu.vector_store %arg9[%swap3A_30, %swap3A_31], %broadcast_in_dim3A_29 {strides = array<i32>} : memref<1x128xf32, #tpu.memory_space<vmem>>, vector<1x128xf32>,
    } else {
    }
    %get3A_4 = arith.constant 0 : index
    %get3A_5 = arith.constant 0 : index
    %get3A_6 = vector.load %arg8[%get3A_4, %get3A_5] : memref<128x128xf32, #tpu.memory_space<vmem>>, vector<128x128xf32>
    %dot_general3A = arith.constant dense<0.000000e+00> : vector<128x128xf32>
    %dot_general3A_7 = tpu.matmul %get3A_1, %get3A_1, %dot_general3A {dimension_numbers = #tpu.dot_dimension_numbers<[0], [0], [1], [1], [0, 1, 1, 1], [], []>, transpose_lhs_hint = false} : vector<2000x128xf32>, vector<2000x128xf32>, vector<128x128xf32> -> vector<128x128xf32>
    %add3A = arith.addf %get3A_6, %dot_general3A_7 : vector<128x128xf32>
    %swap3A = arith.constant 0 : index
    %swap3A_8 = arith.constant 0 : index
    %swap3A_9 = vector.load %arg8[%swap3A, %swap3A_8] : memref<128x128xf32, #tpu.memory_space<vmem>>, vector<128x128xf32>
    tpu.vector_store %arg8[%swap3A, %swap3A_8], %add3A {strides = array<i32>} : memref<128x128xf32, #tpu.memory_space<vmem>>, vector<128x128xf32>,
    %get3A_10 = arith.constant 0 : index
    %get3A_11 = arith.constant 0 : index
    %get3A_12 = vector.load %arg9[%get3A_10, %get3A_11] : memref<1x128xf32, #tpu.memory_space<vmem>>, vector<1x128xf32>
    %reduce_sum3A = arith.constant dense<0.000000e+00> : vector<128xf32>
    %reduce_sum3A_13 = vector.multi_reduction <add>, %get3A_1, %reduce_sum3A [0] : vector<2000x128xf32> to vector<128xf32>
    %broadcast_in_dim3A = vector.shape_cast %reduce_sum3A_13 : vector<128xf32> to vector<1x128xf32>
    %add3A_14 = arith.addf %get3A_12, %broadcast_in_dim3A : vector<1x128xf32>
    %swap3A_15 = arith.constant 0 : index
    %swap3A_16 = arith.constant 0 : index
    %swap3A_17 = vector.load %arg9[%swap3A_15, %swap3A_16] : memref<1x128xf32, #tpu.memory_space<vmem>>, vector<1x128xf32>
    tpu.vector_store %arg9[%swap3A_15, %swap3A_16], %add3A_14 {strides = array<i32>} : memref<1x128xf32, #tpu.memory_space<vmem>>, vector<1x128xf32>,
    %eq3A_18 = arith.constant 9 : i32
    %eq3A_19 = arith.cmpi eq, %arg0, %eq3A_18 : i32
    %convert_element_type3A_20 = arith.extui %eq3A_19 : i1 to i32
    %cond3A_21 = arith.constant 0 : i32
    %cond3A_22 = arith.cmpi ne, %convert_element_type3A_20, %cond3A_21 : i32
    scf.if %cond3A_22 {
      %get3A_23 = arith.constant 0 : index
      %get3A_24 = arith.constant 0 : index
      %get3A_25 = vector.load %arg8[%get3A_23, %get3A_24] : memref<128x128xf32, #tpu.memory_space<vmem>>, vector<128x128xf32>
      %get3A_26 = arith.constant 0 : index
      %get3A_27 = arith.constant 0 : index
      %get3A_28 = vector.load %arg9[%get3A_26, %get3A_27] : memref<1x128xf32, #tpu.memory_space<vmem>>, vector<1x128xf32>
      %slice3A = vector.extract_strided_slice %get3A_25 {offsets = [0, 0], sizes = [16, 16], strides = [1, 1]} : vector<128x128xf32> to vector<16x16xf32>
      %add3A_29 = arith.constant 0.000000e+00 : f32
      %add3A_30 = vector.broadcast %add3A_29 : f32 to vector<16x16xf32>
      %add3A_31 = arith.addf %add3A_30, %slice3A : vector<16x16xf32>
      %slice3A_32 = vector.extract_strided_slice %get3A_25 {offsets = [16, 16], sizes = [16, 16], strides = [1, 1]} : vector<128x128xf32> to vector<16x16xf32>
      %add3A_33 = arith.addf %add3A_31, %slice3A_32 : vector<16x16xf32>
      %slice3A_34 = vector.extract_strided_slice %get3A_25 {offsets = [32, 32], sizes = [16, 16], strides = [1, 1]} : vector<128x128xf32> to vector<16x16xf32>
      %add3A_35 = arith.addf %add3A_33, %slice3A_34 : vector<16x16xf32>
      %slice3A_36 = vector.extract_strided_slice %get3A_25 {offsets = [48, 48], sizes = [16, 16], strides = [1, 1]} : vector<128x128xf32> to vector<16x16xf32>
      %add3A_37 = arith.addf %add3A_35, %slice3A_36 : vector<16x16xf32>
      %slice3A_38 = vector.extract_strided_slice %get3A_25 {offsets = [64, 64], sizes = [16, 16], strides = [1, 1]} : vector<128x128xf32> to vector<16x16xf32>
      %add3A_39 = arith.addf %add3A_37, %slice3A_38 : vector<16x16xf32>
      %slice3A_40 = vector.extract_strided_slice %get3A_25 {offsets = [80, 80], sizes = [16, 16], strides = [1, 1]} : vector<128x128xf32> to vector<16x16xf32>
      %add3A_41 = arith.addf %add3A_39, %slice3A_40 : vector<16x16xf32>
      %slice3A_42 = vector.extract_strided_slice %get3A_25 {offsets = [96, 96], sizes = [16, 16], strides = [1, 1]} : vector<128x128xf32> to vector<16x16xf32>
      %add3A_43 = arith.addf %add3A_41, %slice3A_42 : vector<16x16xf32>
      %slice3A_44 = vector.extract_strided_slice %get3A_25 {offsets = [112, 112], sizes = [16, 16], strides = [1, 1]} : vector<128x128xf32> to vector<16x16xf32>
      %add3A_45 = arith.addf %add3A_43, %slice3A_44 : vector<16x16xf32>
      %slice3A_46 = vector.extract_strided_slice %get3A_28 {offsets = [0, 0], sizes = [1, 16], strides = [1, 1]} : vector<1x128xf32> to vector<1x16xf32>
      %add3A_47 = arith.constant 0.000000e+00 : f32
      %add3A_48 = vector.broadcast %add3A_47 : f32 to vector<1x16xf32>
      %add3A_49 = arith.addf %add3A_48, %slice3A_46 : vector<1x16xf32>
      %slice3A_50 = vector.extract_strided_slice %get3A_28 {offsets = [0, 16], sizes = [1, 16], strides = [1, 1]} : vector<1x128xf32> to vector<1x16xf32>
      %add3A_51 = arith.addf %add3A_49, %slice3A_50 : vector<1x16xf32>
      %slice3A_52 = vector.extract_strided_slice %get3A_28 {offsets = [0, 32], sizes = [1, 16], strides = [1, 1]} : vector<1x128xf32> to vector<1x16xf32>
      %add3A_53 = arith.addf %add3A_51, %slice3A_52 : vector<1x16xf32>
      %slice3A_54 = vector.extract_strided_slice %get3A_28 {offsets = [0, 48], sizes = [1, 16], strides = [1, 1]} : vector<1x128xf32> to vector<1x16xf32>
      %add3A_55 = arith.addf %add3A_53, %slice3A_54 : vector<1x16xf32>
      %slice3A_56 = vector.extract_strided_slice %get3A_28 {offsets = [0, 64], sizes = [1, 16], strides = [1, 1]} : vector<1x128xf32> to vector<1x16xf32>
      %add3A_57 = arith.addf %add3A_55, %slice3A_56 : vector<1x16xf32>
      %slice3A_58 = vector.extract_strided_slice %get3A_28 {offsets = [0, 80], sizes = [1, 16], strides = [1, 1]} : vector<1x128xf32> to vector<1x16xf32>
      %add3A_59 = arith.addf %add3A_57, %slice3A_58 : vector<1x16xf32>
      %slice3A_60 = vector.extract_strided_slice %get3A_28 {offsets = [0, 96], sizes = [1, 16], strides = [1, 1]} : vector<1x128xf32> to vector<1x16xf32>
      %add3A_61 = arith.addf %add3A_59, %slice3A_60 : vector<1x16xf32>
      %slice3A_62 = vector.extract_strided_slice %get3A_28 {offsets = [0, 112], sizes = [1, 16], strides = [1, 1]} : vector<1x128xf32> to vector<1x16xf32>
      %add3A_63 = arith.addf %add3A_61, %slice3A_62 : vector<1x16xf32>
      %get3A_64 = arith.constant 0 : index
      %get3A_65 = arith.constant 0 : index
      %get3A_66 = vector.load %arg2[%get3A_64, %get3A_65] : memref<16x32xf32, #tpu.memory_space<vmem>>, vector<16x32xf32>
      %dot_general3A_67 = arith.constant dense<0.000000e+00> : vector<1x32xf32>
      %dot_general3A_68 = tpu.matmul %add3A_63, %get3A_66, %dot_general3A_67 {dimension_numbers = #tpu.dot_dimension_numbers<[1], [0], [0], [1], [0, 0, 1, 1], [], []>, transpose_lhs_hint = false} : vector<1x16xf32>, vector<16x32xf32>, vector<1x32xf32> -> vector<1x32xf32>
      %mul3A = arith.constant 6.250000e-06 : f32
      %mul3A_69 = vector.broadcast %mul3A : f32 to vector<1x32xf32>
      %mul3A_70 = arith.mulf %dot_general3A_68, %mul3A_69 : vector<1x32xf32>
      %get3A_71 = arith.constant 0 : index
      %get3A_72 = arith.constant 0 : index
      %get3A_73 = vector.load %arg2[%get3A_71, %get3A_72] : memref<16x32xf32, #tpu.memory_space<vmem>>, vector<16x32xf32>
      %get3A_74 = arith.constant 0 : index
      %get3A_75 = arith.constant 0 : index
      %get3A_76 = vector.load %arg2[%get3A_74, %get3A_75] : memref<16x32xf32, #tpu.memory_space<vmem>>, vector<16x32xf32>
      %dot_general3A_77 = arith.constant dense<0.000000e+00> : vector<16x32xf32>
      %dot_general3A_78 = tpu.matmul %add3A_45, %get3A_76, %dot_general3A_77 {dimension_numbers = #tpu.dot_dimension_numbers<[1], [0], [0], [1], [0, 0, 1, 1], [], []>, transpose_lhs_hint = false} : vector<16x16xf32>, vector<16x32xf32>, vector<16x32xf32> -> vector<16x32xf32>
      %mul3A_79 = arith.mulf %get3A_73, %dot_general3A_78 : vector<16x32xf32>
      %reduce_sum3A_80 = arith.constant dense<0.000000e+00> : vector<32xf32>
      %reduce_sum3A_81 = vector.multi_reduction <add>, %mul3A_79, %reduce_sum3A_80 [0] : vector<16x32xf32> to vector<32xf32>
      %broadcast_in_dim3A_82 = vector.shape_cast %reduce_sum3A_81 : vector<32xf32> to vector<1x32xf32>
      %mul3A_83 = arith.constant 6.250000e-06 : f32
      %mul3A_84 = vector.broadcast %mul3A_83 : f32 to vector<1x32xf32>
      %mul3A_85 = arith.mulf %broadcast_in_dim3A_82, %mul3A_84 : vector<1x32xf32>
      %mul3A_86 = arith.mulf %mul3A_70, %mul3A_70 : vector<1x32xf32>
      %sub3A = arith.subf %mul3A_85, %mul3A_86 : vector<1x32xf32>
      %get3A_87 = arith.constant 0 : index
      %get3A_88 = arith.constant 0 : index
      %get3A_89 = vector.load %arg3[%get3A_87, %get3A_88] : memref<1x32xf32, #tpu.memory_space<vmem>>, vector<1x32xf32>
      %add3A_90 = arith.addf %mul3A_70, %get3A_89 : vector<1x32xf32>
      %add3A_91 = arith.constant 9.99999974E-6 : f32
      %add3A_92 = vector.broadcast %add3A_91 : f32 to vector<1x32xf32>
      %add3A_93 = arith.addf %sub3A, %add3A_92 : vector<1x32xf32>
      %rsqrt3A = math.rsqrt %add3A_93 : vector<1x32xf32>
      %get3A_94 = arith.constant 0 : index
      %get3A_95 = arith.constant 0 : index
      %get3A_96 = vector.load %arg4[%get3A_94, %get3A_95] : memref<1x32xf32, #tpu.memory_space<vmem>>, vector<1x32xf32>
      %mul3A_97 = arith.mulf %rsqrt3A, %get3A_96 : vector<1x32xf32>
      %get3A_98 = arith.constant 0 : index
      %get3A_99 = arith.constant 0 : index
      %get3A_100 = vector.load %arg5[%get3A_98, %get3A_99] : memref<1x32xf32, #tpu.memory_space<vmem>>, vector<1x32xf32>
      %mul3A_101 = arith.mulf %add3A_90, %mul3A_97 : vector<1x32xf32>
      %sub3A_102 = arith.subf %get3A_100, %mul3A_101 : vector<1x32xf32>
      %concatenate3A = tpu.concatenate %mul3A_97, %mul3A_97, %mul3A_97, %mul3A_97, %mul3A_97, %mul3A_97, %mul3A_97, %mul3A_97 in 1 : vector<1x32xf32>, vector<1x32xf32>, vector<1x32xf32>, vector<1x32xf32>, vector<1x32xf32>, vector<1x32xf32>, vector<1x32xf32>, vector<1x32xf32> -> vector<1x256xf32>
      %swap3A_103 = arith.constant 0 : index
      %swap3A_104 = arith.constant 0 : index
      %swap3A_105 = vector.load %arg6[%swap3A_103, %swap3A_104] : memref<1x256xf32, #tpu.memory_space<vmem>>, vector<1x256xf32>
      tpu.vector_store %arg6[%swap3A_103, %swap3A_104], %concatenate3A {strides = array<i32>} : memref<1x256xf32, #tpu.memory_space<vmem>>, vector<1x256xf32>,
      %concatenate3A_106 = tpu.concatenate %sub3A_102, %sub3A_102, %sub3A_102, %sub3A_102, %sub3A_102, %sub3A_102, %sub3A_102, %sub3A_102 in 1 : vector<1x32xf32>, vector<1x32xf32>, vector<1x32xf32>, vector<1x32xf32>, vector<1x32xf32>, vector<1x32xf32>, vector<1x32xf32>, vector<1x32xf32> -> vector<1x256xf32>
      %swap3A_107 = arith.constant 0 : index
      %swap3A_108 = arith.constant 0 : index
      %swap3A_109 = vector.load %arg7[%swap3A_107, %swap3A_108] : memref<1x256xf32, #tpu.memory_space<vmem>>, vector<1x256xf32>
      tpu.vector_store %arg7[%swap3A_107, %swap3A_108], %concatenate3A_106 {strides = array<i32>} : memref<1x256xf32, #tpu.memory_space<vmem>>, vector<1x256xf32>,
    } else {
    }
    return
  }
  func.func @transform_0(%arg0: i32) -> (i32, i32) {
    %c0_i32 = arith.constant 0 : i32
    %c0_i32_0 = arith.constant 0 : i32
    return %arg0, %c0_i32 : i32, i32
  }
  func.func @transform_1(%arg0: i32) -> (i32, i32) {
    %c0_i32 = arith.constant 0 : i32
    %c0_i32_0 = arith.constant 0 : i32
    %c0_i32_1 = arith.constant 0 : i32
    return %c0_i32, %c0_i32_0 : i32, i32
  }
  func.func @transform_2(%arg0: i32) -> (i32, i32) {
    %c0_i32 = arith.constant 0 : i32
    %c0_i32_0 = arith.constant 0 : i32
    %c0_i32_1 = arith.constant 0 : i32
    return %c0_i32, %c0_i32_0 : i32, i32
  }
  func.func @transform_3(%arg0: i32) -> (i32, i32) {
    %c0_i32 = arith.constant 0 : i32
    %c0_i32_0 = arith.constant 0 : i32
    %c0_i32_1 = arith.constant 0 : i32
    return %c0_i32, %c0_i32_0 : i32, i32
  }
  func.func @transform_4(%arg0: i32) -> (i32, i32) {
    %c0_i32 = arith.constant 0 : i32
    %c0_i32_0 = arith.constant 0 : i32
    %c0_i32_1 = arith.constant 0 : i32
    return %c0_i32, %c0_i32_0 : i32, i32
  }
  func.func @transform_5(%arg0: i32) -> (i32, i32) {
    %c0_i32 = arith.constant 0 : i32
    %c0_i32_0 = arith.constant 0 : i32
    %c0_i32_1 = arith.constant 0 : i32
    return %c0_i32, %c0_i32_0 : i32, i32
  }
  func.func @transform_6(%arg0: i32) -> (i32, i32) {
    %c0_i32 = arith.constant 0 : i32
    %c0_i32_0 = arith.constant 0 : i32
    %c0_i32_1 = arith.constant 0 : i32
    return %c0_i32, %c0_i32_0 : i32, i32
  }
}

module attributes {stable_mosaic.version = 14 : i64} {
  func.func @_msg_body(%arg0: i32, %arg1: memref<400x256xf32, #tpu.memory_space<vmem>>, %arg2: memref<400x128xf32, #tpu.memory_space<vmem>>, %arg3: memref<1x256xf32, #tpu.memory_space<vmem>>, %arg4: memref<1x256xf32, #tpu.memory_space<vmem>>, %arg5: memref<256x8192xf32, #tpu.memory_space<vmem>>, %arg6: memref<256x8192xf32, #tpu.memory_space<vmem>>, %arg7: memref<128x256xf32, #tpu.memory_space<vmem>>, %arg8: memref<1x8192xf32, #tpu.memory_space<vmem>>, %arg9: memref<400x256xf32, #tpu.memory_space<vmem>>) attributes {dimension_semantics = [#tpu.dimension_semantics<arbitrary>], iteration_bounds = array<i64: 50>, scalar_prefetch = 0 : i64, scratch_operands = 0 : i64, tpu.core_type = #tpu.core_type<tc>, window_params = [{transform_indices = @transform_0, window_bounds = array<i64: 400, 256>}, {transform_indices = @transform_1, window_bounds = array<i64: 400, 128>}, {pipeline_mode = #tpu.pipeline_mode<synchronous>, transform_indices = @transform_2, window_bounds = array<i64: 1, 256>}, {pipeline_mode = #tpu.pipeline_mode<synchronous>, transform_indices = @transform_3, window_bounds = array<i64: 1, 256>}, {pipeline_mode = #tpu.pipeline_mode<synchronous>, transform_indices = @transform_4, window_bounds = array<i64: 256, 8192>}, {pipeline_mode = #tpu.pipeline_mode<synchronous>, transform_indices = @transform_5, window_bounds = array<i64: 256, 8192>}, {pipeline_mode = #tpu.pipeline_mode<synchronous>, transform_indices = @transform_6, window_bounds = array<i64: 128, 256>}, {pipeline_mode = #tpu.pipeline_mode<synchronous>, transform_indices = @transform_7, window_bounds = array<i64: 1, 8192>}, {transform_indices = @transform_8, window_bounds = array<i64: 400, 256>}]} {
    %get3A = arith.constant 0 : index
    %get3A_0 = arith.constant 0 : index
    %get3A_1 = vector.load %arg2[%get3A, %get3A_0] : memref<400x128xf32, #tpu.memory_space<vmem>>, vector<400x128xf32>
    %get3A_2 = arith.constant 0 : index
    %get3A_3 = arith.constant 0 : index
    %get3A_4 = vector.load %arg7[%get3A_2, %get3A_3] : memref<128x256xf32, #tpu.memory_space<vmem>>, vector<128x256xf32>
    %dot_general3A = arith.constant dense<0.000000e+00> : vector<400x256xf32>
    %dot_general3A_5 = tpu.matmul %get3A_1, %get3A_4, %dot_general3A {dimension_numbers = #tpu.dot_dimension_numbers<[1], [0], [0], [1], [0, 0, 1, 1], [], []>, transpose_lhs_hint = false} : vector<400x128xf32>, vector<128x256xf32>, vector<400x256xf32> -> vector<400x256xf32>
    %get3A_6 = arith.constant 0 : index
    %get3A_7 = arith.constant 0 : index
    %get3A_8 = vector.load %arg3[%get3A_6, %get3A_7] : memref<1x256xf32, #tpu.memory_space<vmem>>, vector<1x256xf32>
    %mul3A = vector.broadcast %get3A_8 : vector<1x256xf32> to vector<400x256xf32>
    %mul3A_9 = arith.mulf %dot_general3A_5, %mul3A : vector<400x256xf32>
    %get3A_10 = arith.constant 0 : index
    %get3A_11 = arith.constant 0 : index
    %get3A_12 = vector.load %arg4[%get3A_10, %get3A_11] : memref<1x256xf32, #tpu.memory_space<vmem>>, vector<1x256xf32>
    %add3A = vector.broadcast %get3A_12 : vector<1x256xf32> to vector<400x256xf32>
    %add3A_13 = arith.addf %mul3A_9, %add3A : vector<400x256xf32>
    %max3A = arith.constant 0.000000e+00 : f32
    %max3A_14 = vector.broadcast %max3A : f32 to vector<400x256xf32>
    %max3A_15 = arith.maximumf %add3A_13, %max3A_14 : vector<400x256xf32>
    %get3A_16 = arith.constant 0 : index
    %get3A_17 = arith.constant 0 : index
    %get3A_18 = vector.load %arg1[%get3A_16, %get3A_17] : memref<400x256xf32, #tpu.memory_space<vmem>>, vector<400x256xf32>
    %get3A_19 = arith.constant 0 : index
    %get3A_20 = arith.constant 0 : index
    %get3A_21 = vector.load %arg5[%get3A_19, %get3A_20] : memref<256x8192xf32, #tpu.memory_space<vmem>>, vector<256x8192xf32>
    %dot_general3A_22 = arith.constant dense<0.000000e+00> : vector<400x8192xf32>
    %dot_general3A_23 = tpu.matmul %max3A_15, %get3A_21, %dot_general3A_22 {dimension_numbers = #tpu.dot_dimension_numbers<[1], [0], [0], [1], [0, 0, 1, 1], [], []>, transpose_lhs_hint = false} : vector<400x256xf32>, vector<256x8192xf32>, vector<400x8192xf32> -> vector<400x8192xf32>
    %get3A_24 = arith.constant 0 : index
    %get3A_25 = arith.constant 0 : index
    %get3A_26 = vector.load %arg8[%get3A_24, %get3A_25] : memref<1x8192xf32, #tpu.memory_space<vmem>>, vector<1x8192xf32>
    %add3A_27 = vector.broadcast %get3A_26 : vector<1x8192xf32> to vector<400x8192xf32>
    %add3A_28 = arith.addf %dot_general3A_23, %add3A_27 : vector<400x8192xf32>
    %convert_element_type3A = arith.truncf %add3A_28 : vector<400x8192xf32> to vector<400x8192xbf16>
    %convert_element_type3A_29 = arith.extf %convert_element_type3A : vector<400x8192xbf16> to vector<400x8192xf32>
    %get3A_30 = arith.constant 0 : index
    %get3A_31 = arith.constant 0 : index
    %get3A_32 = vector.load %arg6[%get3A_30, %get3A_31] : memref<256x8192xf32, #tpu.memory_space<vmem>>, vector<256x8192xf32>
    %dot_general3A_33 = arith.constant dense<0.000000e+00> : vector<400x8192xf32>
    %dot_general3A_34 = tpu.matmul %get3A_18, %get3A_32, %dot_general3A_33 {dimension_numbers = #tpu.dot_dimension_numbers<[1], [0], [0], [1], [0, 0, 1, 1], [], []>, transpose_lhs_hint = false} : vector<400x256xf32>, vector<256x8192xf32>, vector<400x8192xf32> -> vector<400x8192xf32>
    %mul3A_35 = arith.mulf %dot_general3A_34, %convert_element_type3A_29 : vector<400x8192xf32>
    %slice3A = vector.extract_strided_slice %mul3A_35 {offsets = [0, 0], sizes = [400, 1024], strides = [1, 1]} : vector<400x8192xf32> to vector<400x1024xf32>
    %slice3A_36 = vector.extract_strided_slice %slice3A {offsets = [0, 0], sizes = [400, 512], strides = [1, 1]} : vector<400x1024xf32> to vector<400x512xf32>
    %slice3A_37 = vector.extract_strided_slice %slice3A {offsets = [0, 512], sizes = [400, 512], strides = [1, 1]} : vector<400x1024xf32> to vector<400x512xf32>
    %add3A_38 = arith.addf %slice3A_36, %slice3A_37 : vector<400x512xf32>
    %slice3A_39 = vector.extract_strided_slice %add3A_38 {offsets = [0, 0], sizes = [400, 256], strides = [1, 1]} : vector<400x512xf32> to vector<400x256xf32>
    %slice3A_40 = vector.extract_strided_slice %add3A_38 {offsets = [0, 256], sizes = [400, 256], strides = [1, 1]} : vector<400x512xf32> to vector<400x256xf32>
    %add3A_41 = arith.addf %slice3A_39, %slice3A_40 : vector<400x256xf32>
    %slice3A_42 = vector.extract_strided_slice %add3A_41 {offsets = [0, 0], sizes = [400, 128], strides = [1, 1]} : vector<400x256xf32> to vector<400x128xf32>
    %slice3A_43 = vector.extract_strided_slice %add3A_41 {offsets = [0, 128], sizes = [400, 128], strides = [1, 1]} : vector<400x256xf32> to vector<400x128xf32>
    %add3A_44 = arith.addf %slice3A_42, %slice3A_43 : vector<400x128xf32>
    %slice3A_45 = vector.extract_strided_slice %add3A_44 {offsets = [0, 0], sizes = [400, 64], strides = [1, 1]} : vector<400x128xf32> to vector<400x64xf32>
    %slice3A_46 = vector.extract_strided_slice %add3A_44 {offsets = [0, 64], sizes = [400, 64], strides = [1, 1]} : vector<400x128xf32> to vector<400x64xf32>
    %add3A_47 = arith.addf %slice3A_45, %slice3A_46 : vector<400x64xf32>
    %slice3A_48 = vector.extract_strided_slice %add3A_47 {offsets = [0, 0], sizes = [400, 32], strides = [1, 1]} : vector<400x64xf32> to vector<400x32xf32>
    %slice3A_49 = vector.extract_strided_slice %add3A_47 {offsets = [0, 32], sizes = [400, 32], strides = [1, 1]} : vector<400x64xf32> to vector<400x32xf32>
    %add3A_50 = arith.addf %slice3A_48, %slice3A_49 : vector<400x32xf32>
    %slice3A_51 = vector.extract_strided_slice %mul3A_35 {offsets = [0, 1024], sizes = [400, 1024], strides = [1, 1]} : vector<400x8192xf32> to vector<400x1024xf32>
    %slice3A_52 = vector.extract_strided_slice %slice3A_51 {offsets = [0, 0], sizes = [400, 512], strides = [1, 1]} : vector<400x1024xf32> to vector<400x512xf32>
    %slice3A_53 = vector.extract_strided_slice %slice3A_51 {offsets = [0, 512], sizes = [400, 512], strides = [1, 1]} : vector<400x1024xf32> to vector<400x512xf32>
    %add3A_54 = arith.addf %slice3A_52, %slice3A_53 : vector<400x512xf32>
    %slice3A_55 = vector.extract_strided_slice %add3A_54 {offsets = [0, 0], sizes = [400, 256], strides = [1, 1]} : vector<400x512xf32> to vector<400x256xf32>
    %slice3A_56 = vector.extract_strided_slice %add3A_54 {offsets = [0, 256], sizes = [400, 256], strides = [1, 1]} : vector<400x512xf32> to vector<400x256xf32>
    %add3A_57 = arith.addf %slice3A_55, %slice3A_56 : vector<400x256xf32>
    %slice3A_58 = vector.extract_strided_slice %add3A_57 {offsets = [0, 0], sizes = [400, 128], strides = [1, 1]} : vector<400x256xf32> to vector<400x128xf32>
    %slice3A_59 = vector.extract_strided_slice %add3A_57 {offsets = [0, 128], sizes = [400, 128], strides = [1, 1]} : vector<400x256xf32> to vector<400x128xf32>
    %add3A_60 = arith.addf %slice3A_58, %slice3A_59 : vector<400x128xf32>
    %slice3A_61 = vector.extract_strided_slice %add3A_60 {offsets = [0, 0], sizes = [400, 64], strides = [1, 1]} : vector<400x128xf32> to vector<400x64xf32>
    %slice3A_62 = vector.extract_strided_slice %add3A_60 {offsets = [0, 64], sizes = [400, 64], strides = [1, 1]} : vector<400x128xf32> to vector<400x64xf32>
    %add3A_63 = arith.addf %slice3A_61, %slice3A_62 : vector<400x64xf32>
    %slice3A_64 = vector.extract_strided_slice %add3A_63 {offsets = [0, 0], sizes = [400, 32], strides = [1, 1]} : vector<400x64xf32> to vector<400x32xf32>
    %slice3A_65 = vector.extract_strided_slice %add3A_63 {offsets = [0, 32], sizes = [400, 32], strides = [1, 1]} : vector<400x64xf32> to vector<400x32xf32>
    %add3A_66 = arith.addf %slice3A_64, %slice3A_65 : vector<400x32xf32>
    %slice3A_67 = vector.extract_strided_slice %mul3A_35 {offsets = [0, 2048], sizes = [400, 1024], strides = [1, 1]} : vector<400x8192xf32> to vector<400x1024xf32>
    %slice3A_68 = vector.extract_strided_slice %slice3A_67 {offsets = [0, 0], sizes = [400, 512], strides = [1, 1]} : vector<400x1024xf32> to vector<400x512xf32>
    %slice3A_69 = vector.extract_strided_slice %slice3A_67 {offsets = [0, 512], sizes = [400, 512], strides = [1, 1]} : vector<400x1024xf32> to vector<400x512xf32>
    %add3A_70 = arith.addf %slice3A_68, %slice3A_69 : vector<400x512xf32>
    %slice3A_71 = vector.extract_strided_slice %add3A_70 {offsets = [0, 0], sizes = [400, 256], strides = [1, 1]} : vector<400x512xf32> to vector<400x256xf32>
    %slice3A_72 = vector.extract_strided_slice %add3A_70 {offsets = [0, 256], sizes = [400, 256], strides = [1, 1]} : vector<400x512xf32> to vector<400x256xf32>
    %add3A_73 = arith.addf %slice3A_71, %slice3A_72 : vector<400x256xf32>
    %slice3A_74 = vector.extract_strided_slice %add3A_73 {offsets = [0, 0], sizes = [400, 128], strides = [1, 1]} : vector<400x256xf32> to vector<400x128xf32>
    %slice3A_75 = vector.extract_strided_slice %add3A_73 {offsets = [0, 128], sizes = [400, 128], strides = [1, 1]} : vector<400x256xf32> to vector<400x128xf32>
    %add3A_76 = arith.addf %slice3A_74, %slice3A_75 : vector<400x128xf32>
    %slice3A_77 = vector.extract_strided_slice %add3A_76 {offsets = [0, 0], sizes = [400, 64], strides = [1, 1]} : vector<400x128xf32> to vector<400x64xf32>
    %slice3A_78 = vector.extract_strided_slice %add3A_76 {offsets = [0, 64], sizes = [400, 64], strides = [1, 1]} : vector<400x128xf32> to vector<400x64xf32>
    %add3A_79 = arith.addf %slice3A_77, %slice3A_78 : vector<400x64xf32>
    %slice3A_80 = vector.extract_strided_slice %add3A_79 {offsets = [0, 0], sizes = [400, 32], strides = [1, 1]} : vector<400x64xf32> to vector<400x32xf32>
    %slice3A_81 = vector.extract_strided_slice %add3A_79 {offsets = [0, 32], sizes = [400, 32], strides = [1, 1]} : vector<400x64xf32> to vector<400x32xf32>
    %add3A_82 = arith.addf %slice3A_80, %slice3A_81 : vector<400x32xf32>
    %slice3A_83 = vector.extract_strided_slice %mul3A_35 {offsets = [0, 3072], sizes = [400, 1024], strides = [1, 1]} : vector<400x8192xf32> to vector<400x1024xf32>
    %slice3A_84 = vector.extract_strided_slice %slice3A_83 {offsets = [0, 0], sizes = [400, 512], strides = [1, 1]} : vector<400x1024xf32> to vector<400x512xf32>
    %slice3A_85 = vector.extract_strided_slice %slice3A_83 {offsets = [0, 512], sizes = [400, 512], strides = [1, 1]} : vector<400x1024xf32> to vector<400x512xf32>
    %add3A_86 = arith.addf %slice3A_84, %slice3A_85 : vector<400x512xf32>
    %slice3A_87 = vector.extract_strided_slice %add3A_86 {offsets = [0, 0], sizes = [400, 256], strides = [1, 1]} : vector<400x512xf32> to vector<400x256xf32>
    %slice3A_88 = vector.extract_strided_slice %add3A_86 {offsets = [0, 256], sizes = [400, 256], strides = [1, 1]} : vector<400x512xf32> to vector<400x256xf32>
    %add3A_89 = arith.addf %slice3A_87, %slice3A_88 : vector<400x256xf32>
    %slice3A_90 = vector.extract_strided_slice %add3A_89 {offsets = [0, 0], sizes = [400, 128], strides = [1, 1]} : vector<400x256xf32> to vector<400x128xf32>
    %slice3A_91 = vector.extract_strided_slice %add3A_89 {offsets = [0, 128], sizes = [400, 128], strides = [1, 1]} : vector<400x256xf32> to vector<400x128xf32>
    %add3A_92 = arith.addf %slice3A_90, %slice3A_91 : vector<400x128xf32>
    %slice3A_93 = vector.extract_strided_slice %add3A_92 {offsets = [0, 0], sizes = [400, 64], strides = [1, 1]} : vector<400x128xf32> to vector<400x64xf32>
    %slice3A_94 = vector.extract_strided_slice %add3A_92 {offsets = [0, 64], sizes = [400, 64], strides = [1, 1]} : vector<400x128xf32> to vector<400x64xf32>
    %add3A_95 = arith.addf %slice3A_93, %slice3A_94 : vector<400x64xf32>
    %slice3A_96 = vector.extract_strided_slice %add3A_95 {offsets = [0, 0], sizes = [400, 32], strides = [1, 1]} : vector<400x64xf32> to vector<400x32xf32>
    %slice3A_97 = vector.extract_strided_slice %add3A_95 {offsets = [0, 32], sizes = [400, 32], strides = [1, 1]} : vector<400x64xf32> to vector<400x32xf32>
    %add3A_98 = arith.addf %slice3A_96, %slice3A_97 : vector<400x32xf32>
    %slice3A_99 = vector.extract_strided_slice %mul3A_35 {offsets = [0, 4096], sizes = [400, 1024], strides = [1, 1]} : vector<400x8192xf32> to vector<400x1024xf32>
    %slice3A_100 = vector.extract_strided_slice %slice3A_99 {offsets = [0, 0], sizes = [400, 512], strides = [1, 1]} : vector<400x1024xf32> to vector<400x512xf32>
    %slice3A_101 = vector.extract_strided_slice %slice3A_99 {offsets = [0, 512], sizes = [400, 512], strides = [1, 1]} : vector<400x1024xf32> to vector<400x512xf32>
    %add3A_102 = arith.addf %slice3A_100, %slice3A_101 : vector<400x512xf32>
    %slice3A_103 = vector.extract_strided_slice %add3A_102 {offsets = [0, 0], sizes = [400, 256], strides = [1, 1]} : vector<400x512xf32> to vector<400x256xf32>
    %slice3A_104 = vector.extract_strided_slice %add3A_102 {offsets = [0, 256], sizes = [400, 256], strides = [1, 1]} : vector<400x512xf32> to vector<400x256xf32>
    %add3A_105 = arith.addf %slice3A_103, %slice3A_104 : vector<400x256xf32>
    %slice3A_106 = vector.extract_strided_slice %add3A_105 {offsets = [0, 0], sizes = [400, 128], strides = [1, 1]} : vector<400x256xf32> to vector<400x128xf32>
    %slice3A_107 = vector.extract_strided_slice %add3A_105 {offsets = [0, 128], sizes = [400, 128], strides = [1, 1]} : vector<400x256xf32> to vector<400x128xf32>
    %add3A_108 = arith.addf %slice3A_106, %slice3A_107 : vector<400x128xf32>
    %slice3A_109 = vector.extract_strided_slice %add3A_108 {offsets = [0, 0], sizes = [400, 64], strides = [1, 1]} : vector<400x128xf32> to vector<400x64xf32>
    %slice3A_110 = vector.extract_strided_slice %add3A_108 {offsets = [0, 64], sizes = [400, 64], strides = [1, 1]} : vector<400x128xf32> to vector<400x64xf32>
    %add3A_111 = arith.addf %slice3A_109, %slice3A_110 : vector<400x64xf32>
    %slice3A_112 = vector.extract_strided_slice %add3A_111 {offsets = [0, 0], sizes = [400, 32], strides = [1, 1]} : vector<400x64xf32> to vector<400x32xf32>
    %slice3A_113 = vector.extract_strided_slice %add3A_111 {offsets = [0, 32], sizes = [400, 32], strides = [1, 1]} : vector<400x64xf32> to vector<400x32xf32>
    %add3A_114 = arith.addf %slice3A_112, %slice3A_113 : vector<400x32xf32>
    %slice3A_115 = vector.extract_strided_slice %mul3A_35 {offsets = [0, 5120], sizes = [400, 1024], strides = [1, 1]} : vector<400x8192xf32> to vector<400x1024xf32>
    %slice3A_116 = vector.extract_strided_slice %slice3A_115 {offsets = [0, 0], sizes = [400, 512], strides = [1, 1]} : vector<400x1024xf32> to vector<400x512xf32>
    %slice3A_117 = vector.extract_strided_slice %slice3A_115 {offsets = [0, 512], sizes = [400, 512], strides = [1, 1]} : vector<400x1024xf32> to vector<400x512xf32>
    %add3A_118 = arith.addf %slice3A_116, %slice3A_117 : vector<400x512xf32>
    %slice3A_119 = vector.extract_strided_slice %add3A_118 {offsets = [0, 0], sizes = [400, 256], strides = [1, 1]} : vector<400x512xf32> to vector<400x256xf32>
    %slice3A_120 = vector.extract_strided_slice %add3A_118 {offsets = [0, 256], sizes = [400, 256], strides = [1, 1]} : vector<400x512xf32> to vector<400x256xf32>
    %add3A_121 = arith.addf %slice3A_119, %slice3A_120 : vector<400x256xf32>
    %slice3A_122 = vector.extract_strided_slice %add3A_121 {offsets = [0, 0], sizes = [400, 128], strides = [1, 1]} : vector<400x256xf32> to vector<400x128xf32>
    %slice3A_123 = vector.extract_strided_slice %add3A_121 {offsets = [0, 128], sizes = [400, 128], strides = [1, 1]} : vector<400x256xf32> to vector<400x128xf32>
    %add3A_124 = arith.addf %slice3A_122, %slice3A_123 : vector<400x128xf32>
    %slice3A_125 = vector.extract_strided_slice %add3A_124 {offsets = [0, 0], sizes = [400, 64], strides = [1, 1]} : vector<400x128xf32> to vector<400x64xf32>
    %slice3A_126 = vector.extract_strided_slice %add3A_124 {offsets = [0, 64], sizes = [400, 64], strides = [1, 1]} : vector<400x128xf32> to vector<400x64xf32>
    %add3A_127 = arith.addf %slice3A_125, %slice3A_126 : vector<400x64xf32>
    %slice3A_128 = vector.extract_strided_slice %add3A_127 {offsets = [0, 0], sizes = [400, 32], strides = [1, 1]} : vector<400x64xf32> to vector<400x32xf32>
    %slice3A_129 = vector.extract_strided_slice %add3A_127 {offsets = [0, 32], sizes = [400, 32], strides = [1, 1]} : vector<400x64xf32> to vector<400x32xf32>
    %add3A_130 = arith.addf %slice3A_128, %slice3A_129 : vector<400x32xf32>
    %slice3A_131 = vector.extract_strided_slice %mul3A_35 {offsets = [0, 6144], sizes = [400, 1024], strides = [1, 1]} : vector<400x8192xf32> to vector<400x1024xf32>
    %slice3A_132 = vector.extract_strided_slice %slice3A_131 {offsets = [0, 0], sizes = [400, 512], strides = [1, 1]} : vector<400x1024xf32> to vector<400x512xf32>
    %slice3A_133 = vector.extract_strided_slice %slice3A_131 {offsets = [0, 512], sizes = [400, 512], strides = [1, 1]} : vector<400x1024xf32> to vector<400x512xf32>
    %add3A_134 = arith.addf %slice3A_132, %slice3A_133 : vector<400x512xf32>
    %slice3A_135 = vector.extract_strided_slice %add3A_134 {offsets = [0, 0], sizes = [400, 256], strides = [1, 1]} : vector<400x512xf32> to vector<400x256xf32>
    %slice3A_136 = vector.extract_strided_slice %add3A_134 {offsets = [0, 256], sizes = [400, 256], strides = [1, 1]} : vector<400x512xf32> to vector<400x256xf32>
    %add3A_137 = arith.addf %slice3A_135, %slice3A_136 : vector<400x256xf32>
    %slice3A_138 = vector.extract_strided_slice %add3A_137 {offsets = [0, 0], sizes = [400, 128], strides = [1, 1]} : vector<400x256xf32> to vector<400x128xf32>
    %slice3A_139 = vector.extract_strided_slice %add3A_137 {offsets = [0, 128], sizes = [400, 128], strides = [1, 1]} : vector<400x256xf32> to vector<400x128xf32>
    %add3A_140 = arith.addf %slice3A_138, %slice3A_139 : vector<400x128xf32>
    %slice3A_141 = vector.extract_strided_slice %add3A_140 {offsets = [0, 0], sizes = [400, 64], strides = [1, 1]} : vector<400x128xf32> to vector<400x64xf32>
    %slice3A_142 = vector.extract_strided_slice %add3A_140 {offsets = [0, 64], sizes = [400, 64], strides = [1, 1]} : vector<400x128xf32> to vector<400x64xf32>
    %add3A_143 = arith.addf %slice3A_141, %slice3A_142 : vector<400x64xf32>
    %slice3A_144 = vector.extract_strided_slice %add3A_143 {offsets = [0, 0], sizes = [400, 32], strides = [1, 1]} : vector<400x64xf32> to vector<400x32xf32>
    %slice3A_145 = vector.extract_strided_slice %add3A_143 {offsets = [0, 32], sizes = [400, 32], strides = [1, 1]} : vector<400x64xf32> to vector<400x32xf32>
    %add3A_146 = arith.addf %slice3A_144, %slice3A_145 : vector<400x32xf32>
    %slice3A_147 = vector.extract_strided_slice %mul3A_35 {offsets = [0, 7168], sizes = [400, 1024], strides = [1, 1]} : vector<400x8192xf32> to vector<400x1024xf32>
    %slice3A_148 = vector.extract_strided_slice %slice3A_147 {offsets = [0, 0], sizes = [400, 512], strides = [1, 1]} : vector<400x1024xf32> to vector<400x512xf32>
    %slice3A_149 = vector.extract_strided_slice %slice3A_147 {offsets = [0, 512], sizes = [400, 512], strides = [1, 1]} : vector<400x1024xf32> to vector<400x512xf32>
    %add3A_150 = arith.addf %slice3A_148, %slice3A_149 : vector<400x512xf32>
    %slice3A_151 = vector.extract_strided_slice %add3A_150 {offsets = [0, 0], sizes = [400, 256], strides = [1, 1]} : vector<400x512xf32> to vector<400x256xf32>
    %slice3A_152 = vector.extract_strided_slice %add3A_150 {offsets = [0, 256], sizes = [400, 256], strides = [1, 1]} : vector<400x512xf32> to vector<400x256xf32>
    %add3A_153 = arith.addf %slice3A_151, %slice3A_152 : vector<400x256xf32>
    %slice3A_154 = vector.extract_strided_slice %add3A_153 {offsets = [0, 0], sizes = [400, 128], strides = [1, 1]} : vector<400x256xf32> to vector<400x128xf32>
    %slice3A_155 = vector.extract_strided_slice %add3A_153 {offsets = [0, 128], sizes = [400, 128], strides = [1, 1]} : vector<400x256xf32> to vector<400x128xf32>
    %add3A_156 = arith.addf %slice3A_154, %slice3A_155 : vector<400x128xf32>
    %slice3A_157 = vector.extract_strided_slice %add3A_156 {offsets = [0, 0], sizes = [400, 64], strides = [1, 1]} : vector<400x128xf32> to vector<400x64xf32>
    %slice3A_158 = vector.extract_strided_slice %add3A_156 {offsets = [0, 64], sizes = [400, 64], strides = [1, 1]} : vector<400x128xf32> to vector<400x64xf32>
    %add3A_159 = arith.addf %slice3A_157, %slice3A_158 : vector<400x64xf32>
    %slice3A_160 = vector.extract_strided_slice %add3A_159 {offsets = [0, 0], sizes = [400, 32], strides = [1, 1]} : vector<400x64xf32> to vector<400x32xf32>
    %slice3A_161 = vector.extract_strided_slice %add3A_159 {offsets = [0, 32], sizes = [400, 32], strides = [1, 1]} : vector<400x64xf32> to vector<400x32xf32>
    %add3A_162 = arith.addf %slice3A_160, %slice3A_161 : vector<400x32xf32>
    %concatenate3A = tpu.concatenate %add3A_50, %add3A_66, %add3A_82, %add3A_98, %add3A_114, %add3A_130, %add3A_146, %add3A_162 in 1 : vector<400x32xf32>, vector<400x32xf32>, vector<400x32xf32>, vector<400x32xf32>, vector<400x32xf32>, vector<400x32xf32>, vector<400x32xf32>, vector<400x32xf32> -> vector<400x256xf32>
    %swap3A = arith.constant 0 : index
    %swap3A_163 = arith.constant 0 : index
    %swap3A_164 = vector.load %arg9[%swap3A, %swap3A_163] : memref<400x256xf32, #tpu.memory_space<vmem>>, vector<400x256xf32>
    tpu.vector_store %arg9[%swap3A, %swap3A_163], %concatenate3A {strides = array<i32>} : memref<400x256xf32, #tpu.memory_space<vmem>>, vector<400x256xf32>,
    return
  }
  func.func @transform_0(%arg0: i32) -> (i32, i32) {
    %c0_i32 = arith.constant 0 : i32
    %c0_i32_0 = arith.constant 0 : i32
    return %arg0, %c0_i32 : i32, i32
  }
  func.func @transform_1(%arg0: i32) -> (i32, i32) {
    %c0_i32 = arith.constant 0 : i32
    %c0_i32_0 = arith.constant 0 : i32
    return %arg0, %c0_i32 : i32, i32
  }
  func.func @transform_2(%arg0: i32) -> (i32, i32) {
    %c0_i32 = arith.constant 0 : i32
    %c0_i32_0 = arith.constant 0 : i32
    %c0_i32_1 = arith.constant 0 : i32
    return %c0_i32, %c0_i32_0 : i32, i32
  }
  func.func @transform_3(%arg0: i32) -> (i32, i32) {
    %c0_i32 = arith.constant 0 : i32
    %c0_i32_0 = arith.constant 0 : i32
    %c0_i32_1 = arith.constant 0 : i32
    return %c0_i32, %c0_i32_0 : i32, i32
  }
  func.func @transform_4(%arg0: i32) -> (i32, i32) {
    %c0_i32 = arith.constant 0 : i32
    %c0_i32_0 = arith.constant 0 : i32
    %c0_i32_1 = arith.constant 0 : i32
    return %c0_i32, %c0_i32_0 : i32, i32
  }
  func.func @transform_5(%arg0: i32) -> (i32, i32) {
    %c0_i32 = arith.constant 0 : i32
    %c0_i32_0 = arith.constant 0 : i32
    %c0_i32_1 = arith.constant 0 : i32
    return %c0_i32, %c0_i32_0 : i32, i32
  }
  func.func @transform_6(%arg0: i32) -> (i32, i32) {
    %c0_i32 = arith.constant 0 : i32
    %c0_i32_0 = arith.constant 0 : i32
    %c0_i32_1 = arith.constant 0 : i32
    return %c0_i32, %c0_i32_0 : i32, i32
  }
  func.func @transform_7(%arg0: i32) -> (i32, i32) {
    %c0_i32 = arith.constant 0 : i32
    %c0_i32_0 = arith.constant 0 : i32
    %c0_i32_1 = arith.constant 0 : i32
    return %c0_i32, %c0_i32_0 : i32, i32
  }
  func.func @transform_8(%arg0: i32) -> (i32, i32) {
    %c0_i32 = arith.constant 0 : i32
    %c0_i32_0 = arith.constant 0 : i32
    return %arg0, %c0_i32 : i32, i32
  }
}

module attributes {stable_mosaic.version = 14 : i64} {
  func.func @_final_body(%arg0: memref<2x1280x256xf32, #tpu.memory_space<vmem>>, %arg1: memref<1x256xf32, #tpu.memory_space<vmem>>, %arg2: memref<1x256xf32, #tpu.memory_space<vmem>>, %arg3: memref<1x256xf32, #tpu.memory_space<vmem>>, %arg4: memref<1x1xf32, #tpu.memory_space<vmem>>, %arg5: memref<1x1xf32, #tpu.memory_space<vmem>>) attributes {dimension_semantics = [], scalar_prefetch = 0 : i64, scratch_operands = 0 : i64, tpu.core_type = #tpu.core_type<tc>} {
    %get3A = arith.constant 0 : index
    %get3A_0 = arith.constant 0 : index
    %get3A_1 = arith.constant 0 : index
    %get3A_2 = vector.load %arg0[%get3A, %get3A_0, %get3A_1] : memref<2x1280x256xf32, #tpu.memory_space<vmem>>, vector<1x1250x256xf32>
    %get3A_3 = vector.shape_cast %get3A_2 : vector<1x1250x256xf32> to vector<1250x256xf32>
    %get3A_4 = arith.constant 1 : index
    %get3A_5 = arith.constant 0 : index
    %get3A_6 = arith.constant 0 : index
    %get3A_7 = vector.load %arg0[%get3A_4, %get3A_5, %get3A_6] : memref<2x1280x256xf32, #tpu.memory_space<vmem>>, vector<1x1250x256xf32>
    %get3A_8 = vector.shape_cast %get3A_7 : vector<1x1250x256xf32> to vector<1250x256xf32>
    %add3A = arith.addf %get3A_3, %get3A_8 : vector<1250x256xf32>
    %reduce_sum3A = arith.constant dense<0.000000e+00> : vector<256xf32>
    %reduce_sum3A_9 = vector.multi_reduction <add>, %add3A, %reduce_sum3A [0] : vector<1250x256xf32> to vector<256xf32>
    %broadcast_in_dim3A = vector.shape_cast %reduce_sum3A_9 : vector<256xf32> to vector<1x256xf32>
    %slice3A = vector.extract_strided_slice %broadcast_in_dim3A {offsets = [0, 0], sizes = [1, 32], strides = [1, 1]} : vector<1x256xf32> to vector<1x32xf32>
    %add3A_10 = arith.constant 0.000000e+00 : f32
    %add3A_11 = vector.broadcast %add3A_10 : f32 to vector<1x32xf32>
    %add3A_12 = arith.addf %add3A_11, %slice3A : vector<1x32xf32>
    %slice3A_13 = vector.extract_strided_slice %broadcast_in_dim3A {offsets = [0, 32], sizes = [1, 32], strides = [1, 1]} : vector<1x256xf32> to vector<1x32xf32>
    %add3A_14 = arith.addf %add3A_12, %slice3A_13 : vector<1x32xf32>
    %slice3A_15 = vector.extract_strided_slice %broadcast_in_dim3A {offsets = [0, 64], sizes = [1, 32], strides = [1, 1]} : vector<1x256xf32> to vector<1x32xf32>
    %add3A_16 = arith.addf %add3A_14, %slice3A_15 : vector<1x32xf32>
    %slice3A_17 = vector.extract_strided_slice %broadcast_in_dim3A {offsets = [0, 96], sizes = [1, 32], strides = [1, 1]} : vector<1x256xf32> to vector<1x32xf32>
    %add3A_18 = arith.addf %add3A_16, %slice3A_17 : vector<1x32xf32>
    %slice3A_19 = vector.extract_strided_slice %broadcast_in_dim3A {offsets = [0, 128], sizes = [1, 32], strides = [1, 1]} : vector<1x256xf32> to vector<1x32xf32>
    %add3A_20 = arith.addf %add3A_18, %slice3A_19 : vector<1x32xf32>
    %slice3A_21 = vector.extract_strided_slice %broadcast_in_dim3A {offsets = [0, 160], sizes = [1, 32], strides = [1, 1]} : vector<1x256xf32> to vector<1x32xf32>
    %add3A_22 = arith.addf %add3A_20, %slice3A_21 : vector<1x32xf32>
    %slice3A_23 = vector.extract_strided_slice %broadcast_in_dim3A {offsets = [0, 192], sizes = [1, 32], strides = [1, 1]} : vector<1x256xf32> to vector<1x32xf32>
    %add3A_24 = arith.addf %add3A_22, %slice3A_23 : vector<1x32xf32>
    %slice3A_25 = vector.extract_strided_slice %broadcast_in_dim3A {offsets = [0, 224], sizes = [1, 32], strides = [1, 1]} : vector<1x256xf32> to vector<1x32xf32>
    %add3A_26 = arith.addf %add3A_24, %slice3A_25 : vector<1x32xf32>
    %mul3A = arith.constant 9.99999974E-5 : f32
    %mul3A_27 = vector.broadcast %mul3A : f32 to vector<1x32xf32>
    %mul3A_28 = arith.mulf %add3A_26, %mul3A_27 : vector<1x32xf32>
    %concatenate3A = tpu.concatenate %mul3A_28, %mul3A_28, %mul3A_28, %mul3A_28, %mul3A_28, %mul3A_28, %mul3A_28, %mul3A_28 in 1 : vector<1x32xf32>, vector<1x32xf32>, vector<1x32xf32>, vector<1x32xf32>, vector<1x32xf32>, vector<1x32xf32>, vector<1x32xf32>, vector<1x32xf32> -> vector<1x256xf32>
    %sub3A = vector.broadcast %concatenate3A : vector<1x256xf32> to vector<1250x256xf32>
    %sub3A_29 = arith.subf %add3A, %sub3A : vector<1250x256xf32>
    %mul3A_30 = arith.mulf %sub3A_29, %sub3A_29 : vector<1250x256xf32>
    %reduce_sum3A_31 = arith.constant dense<0.000000e+00> : vector<256xf32>
    %reduce_sum3A_32 = vector.multi_reduction <add>, %mul3A_30, %reduce_sum3A_31 [0] : vector<1250x256xf32> to vector<256xf32>
    %broadcast_in_dim3A_33 = vector.shape_cast %reduce_sum3A_32 : vector<256xf32> to vector<1x256xf32>
    %slice3A_34 = vector.extract_strided_slice %broadcast_in_dim3A_33 {offsets = [0, 0], sizes = [1, 32], strides = [1, 1]} : vector<1x256xf32> to vector<1x32xf32>
    %add3A_35 = arith.constant 0.000000e+00 : f32
    %add3A_36 = vector.broadcast %add3A_35 : f32 to vector<1x32xf32>
    %add3A_37 = arith.addf %add3A_36, %slice3A_34 : vector<1x32xf32>
    %slice3A_38 = vector.extract_strided_slice %broadcast_in_dim3A_33 {offsets = [0, 32], sizes = [1, 32], strides = [1, 1]} : vector<1x256xf32> to vector<1x32xf32>
    %add3A_39 = arith.addf %add3A_37, %slice3A_38 : vector<1x32xf32>
    %slice3A_40 = vector.extract_strided_slice %broadcast_in_dim3A_33 {offsets = [0, 64], sizes = [1, 32], strides = [1, 1]} : vector<1x256xf32> to vector<1x32xf32>
    %add3A_41 = arith.addf %add3A_39, %slice3A_40 : vector<1x32xf32>
    %slice3A_42 = vector.extract_strided_slice %broadcast_in_dim3A_33 {offsets = [0, 96], sizes = [1, 32], strides = [1, 1]} : vector<1x256xf32> to vector<1x32xf32>
    %add3A_43 = arith.addf %add3A_41, %slice3A_42 : vector<1x32xf32>
    %slice3A_44 = vector.extract_strided_slice %broadcast_in_dim3A_33 {offsets = [0, 128], sizes = [1, 32], strides = [1, 1]} : vector<1x256xf32> to vector<1x32xf32>
    %add3A_45 = arith.addf %add3A_43, %slice3A_44 : vector<1x32xf32>
    %slice3A_46 = vector.extract_strided_slice %broadcast_in_dim3A_33 {offsets = [0, 160], sizes = [1, 32], strides = [1, 1]} : vector<1x256xf32> to vector<1x32xf32>
    %add3A_47 = arith.addf %add3A_45, %slice3A_46 : vector<1x32xf32>
    %slice3A_48 = vector.extract_strided_slice %broadcast_in_dim3A_33 {offsets = [0, 192], sizes = [1, 32], strides = [1, 1]} : vector<1x256xf32> to vector<1x32xf32>
    %add3A_49 = arith.addf %add3A_47, %slice3A_48 : vector<1x32xf32>
    %slice3A_50 = vector.extract_strided_slice %broadcast_in_dim3A_33 {offsets = [0, 224], sizes = [1, 32], strides = [1, 1]} : vector<1x256xf32> to vector<1x32xf32>
    %add3A_51 = arith.addf %add3A_49, %slice3A_50 : vector<1x32xf32>
    %mul3A_52 = arith.constant 9.99999974E-5 : f32
    %mul3A_53 = vector.broadcast %mul3A_52 : f32 to vector<1x32xf32>
    %mul3A_54 = arith.mulf %add3A_51, %mul3A_53 : vector<1x32xf32>
    %concatenate3A_55 = tpu.concatenate %mul3A_54, %mul3A_54, %mul3A_54, %mul3A_54, %mul3A_54, %mul3A_54, %mul3A_54, %mul3A_54 in 1 : vector<1x32xf32>, vector<1x32xf32>, vector<1x32xf32>, vector<1x32xf32>, vector<1x32xf32>, vector<1x32xf32>, vector<1x32xf32>, vector<1x32xf32> -> vector<1x256xf32>
    %add3A_56 = arith.constant 9.99999974E-6 : f32
    %add3A_57 = vector.broadcast %add3A_56 : f32 to vector<1x256xf32>
    %add3A_58 = arith.addf %concatenate3A_55, %add3A_57 : vector<1x256xf32>
    %rsqrt3A = math.rsqrt %add3A_58 : vector<1x256xf32>
    %mul3A_59 = vector.broadcast %rsqrt3A : vector<1x256xf32> to vector<1250x256xf32>
    %mul3A_60 = arith.mulf %sub3A_29, %mul3A_59 : vector<1250x256xf32>
    %get3A_61 = arith.constant 0 : index
    %get3A_62 = arith.constant 0 : index
    %get3A_63 = vector.load %arg1[%get3A_61, %get3A_62] : memref<1x256xf32, #tpu.memory_space<vmem>>, vector<1x256xf32>
    %mul3A_64 = vector.broadcast %get3A_63 : vector<1x256xf32> to vector<1250x256xf32>
    %mul3A_65 = arith.mulf %mul3A_60, %mul3A_64 : vector<1250x256xf32>
    %get3A_66 = arith.constant 0 : index
    %get3A_67 = arith.constant 0 : index
    %get3A_68 = vector.load %arg2[%get3A_66, %get3A_67] : memref<1x256xf32, #tpu.memory_space<vmem>>, vector<1x256xf32>
    %add3A_69 = vector.broadcast %get3A_68 : vector<1x256xf32> to vector<1250x256xf32>
    %add3A_70 = arith.addf %mul3A_65, %add3A_69 : vector<1250x256xf32>
    %max3A = arith.constant 0.000000e+00 : f32
    %max3A_71 = vector.broadcast %max3A : f32 to vector<1250x256xf32>
    %max3A_72 = arith.maximumf %add3A_70, %max3A_71 : vector<1250x256xf32>
    %get3A_73 = arith.constant 0 : index
    %get3A_74 = arith.constant 0 : index
    %get3A_75 = vector.load %arg3[%get3A_73, %get3A_74] : memref<1x256xf32, #tpu.memory_space<vmem>>, vector<1x256xf32>
    %mul3A_76 = vector.broadcast %get3A_75 : vector<1x256xf32> to vector<1250x256xf32>
    %mul3A_77 = arith.mulf %max3A_72, %mul3A_76 : vector<1250x256xf32>
    %reduce_sum3A_78 = vector.shape_cast %mul3A_77 : vector<1250x256xf32> to vector<1x1250x256xf32>
    %reduce_sum3A_79 = arith.constant dense<0.000000e+00> : vector<1xf32>
    %reduce_sum3A_80 = vector.multi_reduction <add>, %reduce_sum3A_78, %reduce_sum3A_79 [1, 2] : vector<1x1250x256xf32> to vector<1xf32>
    %reduce_sum3A_81 = vector.shape_cast %reduce_sum3A_80 : vector<1xf32> to vector<1x1x1xf32>
    %reduce_sum3A_82 = vector.extract %reduce_sum3A_81[0, 0, 0] : f32 from vector<1x1x1xf32>
    %broadcast_in_dim3A_83 = arith.constant 9.99999974E-5 : f32
    %broadcast_in_dim3A_84 = vector.broadcast %broadcast_in_dim3A_83 : f32 to vector<1x1xf32>
    %mul3A_85 = vector.broadcast %reduce_sum3A_82 : f32 to vector<1x1xf32>
    %mul3A_86 = arith.mulf %broadcast_in_dim3A_84, %mul3A_85 : vector<1x1xf32>
    %get3A_87 = arith.constant 0 : index
    %get3A_88 = arith.constant 0 : index
    %get3A_89 = vector.load %arg4[%get3A_87, %get3A_88] : memref<1x1xf32, #tpu.memory_space<vmem>>, vector<1x1xf32>
    %add3A_90 = arith.addf %mul3A_86, %get3A_89 : vector<1x1xf32>
    %swap3A = arith.constant 0 : index
    %swap3A_91 = arith.constant 0 : index
    %swap3A_92 = vector.load %arg5[%swap3A, %swap3A_91] : memref<1x1xf32, #tpu.memory_space<vmem>>, vector<1x1xf32>
    tpu.vector_store %arg5[%swap3A, %swap3A_91], %add3A_90 {strides = array<i32>} : memref<1x1xf32, #tpu.memory_space<vmem>>, vector<1x1xf32>,
    return
  }
}

</mosaic_0001>

<sc_bundles>
// kernel: kernel.11.cloned.1.call-start
scs
__scs_entry_jumppad:
0x0: {  	(pc) =	sbr.rel $0x88, $3  }
0x1: {  	(tag) =	ssettag $0x0;
	lr =	simm.s32 $0x1  }
0x2: {  	[smem:$0x3F90] =	sst lr;
	_ =	strace $0xD0000000  }
0x3: {  	_ = 	snop  }
0x4: {  	_ = 	snop  }
0x5: {  	_ = 	snop  }
0x6: {  	_ = 	snop  }
0x7: {  	_ = 	snop  }
__scs_overlays_trampoline_lowered:
0x8: {  	[smem:$0x3F9F] =	sst s0  }
0x9: {  	[smem:$0x3FA0] =	sst s1  }
0xa: {  	[smem:$0x3FA1] =	sst s2  }
0xb: {  	[smem:$0x3FA2] =	sst s3  }
0xc: {  	[smem:$0x3FA3] =	sst s4  }
0xd: {  	[smem:$0x3FA4] =	sst s5  }
0xe: {  	[smem:$0x3FA5] =	sst s6  }
0xf: {  	[smem:$0x3FA6] =	sst s7  }
0x10: {  	[smem:$0x3FA7] =	sst s8  }
0x11: {  	[smem:$0x3FA8] =	sst s9;
	s0 =	simm.s32 @!p0 $0x0  }
0x12: {  	s1 =	sld [smem:$0x3F8E];
	s0 =	simm.s32 @p0 $0x1  }
0x13: {  	[smem:$0x3FA9] =	sst s0;
	s0 =	simm.s32 @!p1 $0x0  }
0x14: {  	s2 =	sld [smem:$0x3F8D];
	s0 =	simm.s32 @p1 $0x1  }
0x15: {  	[smem:$0x3FAA] =	sst s0;
	s0 =	simm.s32 @!p2 $0x0  }
0x16: {  	s3 =	sld [smem:$0x3FDB];
	s0 =	simm.s32 @p2 $0x1  }
0x17: {  	s4 =	simm.s32 $0x1BF5;
	[smem:$0x3FAC] =	sst s0  }
0x18: {  	s0 =	sld [smem:$0x3F8F];
	_ =	swait.ge [sflag:s4], $0x0  }
0x19: {  	s7 =	sld [smem:$0x3F90]  }
0x1a: {  	s8 =	sadd.s32 $0xFFFFE003, lr  }
0x1b: {  	s9 =	sadd.s32 $0xFFFFFEF7, lr;
	s5 =	simm.s32 $0xFFFFFFFF;
	p2 =	slt.u32 s8, $0xFFFFF086  }
0x1c: {  	p1 =	slt.u32 s9, $0xF7A;
	s5 =	simm.s32 @!p2 $0x0  }
0x1d: {  	s5 =	simm.s32 @p1 $0x1;
	p0 =	seq.s32 s7, s2  }
0x1e: {  	s7 =	smul.u32 @!p0 $0xF7A, s2;
	p2 =	seq.s32 @!p0 s5, $0x0  }
0x1f: {  	s9 =	smul.u32 $0xF7A, s1;
	s8 =	simm.s32 @!p0 $0x1BF5;
	p2 =	por !p2, p0  }
0x20: {  	[sflag:s8] =	ssyncset.s32 @!p0 $0xFFFFF086;
	s6 =	sadd.s32 @!p0 s3, s7;
	s7 =	simm.s32 @!p0 $0x108  }
0x21: {  	s3 =	sadd.s32 s3, s9;
	s6 =	sadd.s32 @!p0 $0x88, s6;
	s7 =	simm.s32 @p2 $0x1082  }
0x22: {  	[simem:s7], [sflag:s8] =	dma.local @!p0 [hbm:s6], $0xF7A  }
0x23: {  	s9 =	sor.u32 $0xD0000000, s2;
	s6 =	simm.s32 $0x108;
	_ =	swait.ge @!p0 [sflag:s8], $0x0  }
0x24: {  	s3 =	sadd.s32 $0x88, s3;
	s6 =	simm.s32 @!p1 $0x1082;
	[sflag:s4] =	ssyncset.s32 $0xFFFFF086  }
0x25: {  	[simem:s6], [sflag:s4] =	dma.local [hbm:s3], $0xF7A  }
0x26: {  	[smem:$0x3F90] =	sst s1;
	(tag) =	ssettag s2;
	_ =	strace s9  }
0x27: {  	s1 =	sld [smem:$0x3FA0]  }
0x28: {  	s2 =	sld [smem:$0x3FA1]  }
0x29: {  	s4 =	sld [smem:$0x3FA3]  }
0x2a: {  	p0 =	seq.s32 s5, $0x0;
	s5 =	sld [smem:$0x3FA4]  }
0x2b: {  	s6 =	sld [smem:$0x3FA5]  }
0x2c: {  	s7 =	sld [smem:$0x3FA6]  }
0x2d: {  	s3 =	simm.s32 $0x108;
	s8 =	sld [smem:$0x3FA7]  }
0x2e: {  	s3 =	simm.s32 @!p0 $0x1082;
	s9 =	sld [smem:$0x3FA8]  }
0x2f: {  	lr =	sadd.s32 s0, s3;
	s0 =	sld [smem:$0x3F9F]  }
0x30: {  	s3 =	sld [smem:$0x3FA2]  }
0x31: {  	[smem:$0x3FAB] =	sst s10  }
0x32: {  	s10 =	sld [smem:$0x3FA9];
	_ =	sdelay $0x3  }
0x33: {  	p0 =	seq.s32 s10, $0x1;
	s10 =	sld [smem:$0x3FAB];
	_ =	sdelay $0x3  }
0x34: {  	[smem:$0x3FAB] =	sst s10  }
0x35: {  	s10 =	sld [smem:$0x3FAA];
	_ =	sdelay $0x3  }
0x36: {  	p1 =	seq.s32 s10, $0x1;
	s10 =	sld [smem:$0x3FAB];
	_ =	sdelay $0x3  }
0x37: {  	[smem:$0x3FAB] =	sst s10  }
0x38: {  	s10 =	sld [smem:$0x3FAC]  }
0x39: {  	_ = 	snop;
	(pc) =	sbr.ind lr, $3  }
0x3a: {  	_ = 	snop  }
0x3b: {  	_ = 	snop  }
0x3c: {  	p2 =	seq.s32 s10, $0x1;
	s10 =	sld [smem:$0x3FAB]  }
0x3d: {  	_ =	shalt  }
0x3e: {  	_ =	shalt  }
0x3f: {  	_ =	shalt  }
0x40: {  	_ =	shalt  }
0x41: {  	_ =	shalt  }
0x42: {  	_ =	shalt  }
0x43: {  	_ =	shalt  }
0x44: {  	_ =	shalt  }
0x45: {  	_ =	shalt  }
0x46: {  	_ =	shalt  }
0x47: {  	_ =	shalt  }
0x48: {  	_ =	shalt  }
0x49: {  	_ =	shalt  }
0x4a: {  	_ =	shalt  }
0x4b: {  	_ =	shalt  }
0x4c: {  	_ =	shalt  }
0x4d: {  	_ =	shalt  }
0x4e: {  	_ =	shalt  }
0x4f: {  	_ =	shalt  }
0x50: {  	_ =	shalt  }
0x51: {  	_ =	shalt  }
0x52: {  	_ =	shalt  }
0x53: {  	_ =	shalt  }
0x54: {  	_ =	shalt  }
0x55: {  	_ =	shalt  }
0x56: {  	_ =	shalt  }
0x57: {  	_ =	shalt  }
0x58: {  	_ =	shalt  }
0x59: {  	_ =	shalt  }
0x5a: {  	_ =	shalt  }
0x5b: {  	_ =	shalt  }
0x5c: {  	_ =	shalt  }
0x5d: {  	_ =	shalt  }
0x5e: {  	_ =	shalt  }
0x5f: {  	_ =	shalt  }
0x60: {  	_ =	shalt  }
0x61: {  	_ =	shalt  }
0x62: {  	_ =	shalt  }
0x63: {  	_ =	shalt  }
0x64: {  	_ =	shalt  }
0x65: {  	_ =	shalt  }
0x66: {  	_ =	shalt  }
0x67: {  	_ =	shalt  }
0x68: {  	_ =	shalt  }
0x69: {  	_ =	shalt  }
0x6a: {  	_ =	shalt  }
0x6b: {  	_ =	shalt  }
0x6c: {  	_ =	shalt  }
0x6d: {  	_ =	shalt  }
0x6e: {  	_ =	shalt  }
0x6f: {  	_ =	shalt  }
0x70: {  	_ =	shalt  }
0x71: {  	_ =	shalt  }
0x72: {  	_ =	shalt  }
0x73: {  	_ =	shalt  }
0x74: {  	_ =	shalt  }
0x75: {  	_ =	shalt  }
0x76: {  	_ =	shalt  }
0x77: {  	_ =	shalt  }
0x78: {  	_ =	shalt  }
0x79: {  	_ =	shalt  }
0x7a: {  	_ =	shalt  }
0x7b: {  	_ =	shalt  }
0x7c: {  	_ =	shalt  }
0x7d: {  	_ =	shalt  }
0x7e: {  	_ =	shalt  }
0x7f: {  	_ =	shalt  }
0x80: {  	_ =	shalt  }
0x81: {  	_ =	shalt  }
0x82: {  	_ =	shalt  }
0x83: {  	_ =	shalt  }
0x84: {  	_ =	shalt  }
0x85: {  	_ =	shalt  }
0x86: {  	_ =	shalt  }
0x87: {  	_ =	shalt  }
.Lfunc_end0:
.L_simem_size_0:
called_computation.1_lowered:
.L_overlay_start_0:
0x88: {  	s2 =	sld [smem:$0x3FD9]  }
0x89: {  	s3 =	sld [smem:$0x3FFE];
	_ =	sdelay $0x1  }
0x8a: {  	s1 =	srdreg.scid  }
0x8b: {  	s0 =	sand.u32 $0x1, s1  }
0x8c: {  	s16 =	sshll.u32 s0, $0xA;
	s2 =	sadd.s32 s3, s2  }
0x8d: {  	s2 =	sadd.s32 s2, s16  }
0x8e: {  	[smem:$0x3FB7] =	sst s2  }
0x8f: {  	_ = 	snop  }
0x90: {  	(tm) =	ssettm $0x1  }
0x91: {  	s17 =	sld [smem:$0x3FFB];
	_ =	sdelay $0x3  }
0x92: {  	_ =	strace s17  }
0x93: {  	s2 =	sld [smem:$0x3FFC];
	_ =	sdelay $0x3  }
0x94: {  	_ =	strace s2  }
0x95: {  	s2 =	sld [smem:$0x3FFD];
	_ =	sdelay $0x3  }
0x96: {  	_ =	strace s2  }
0x97: {  	_ =	strace $0x8FFFFFFF  }
0x98: {  	s18 =	sld [smem:$0x3FDB];
	_ =	sdelay $0x1  }
0x99: {  	s19 =	simm.s32 $_scs_section_size  }
0x9a: {  	s4 =	simm.s32 $_size__tile_overlayer_lowered;
	s5 =	simm.s32 $_tile_overlayer_lowered  }
0x9b: {  	s22 =	simm.s32 $0x1BFF;
	s21 =	sshll.u32 s5, $0x1;
	s2 =	sadd.s32 s19, s18  }
0x9c: {  	s6 =	simm.s32 $0x0;
	s20 =	sshll.u32 s4, $0x1;
	s4 =	sadd.s32 s21, s2  }
0x9d: {  	[timem:s6], [sflag:s22] =	dma.local [hbm:s4], s20  }
0x9e: {  	_ =	swait.ge [sflag:s22], s20  }
0x9f: {  	s3 =	ssub.s32 $0x0, s20;
	[sflag:s22] =	ssyncset.done $0x0  }
0xa0: {  	[sflag:s22] =	ssyncadd.s32 s3;
	_ =	sdelay $0x1  }
0xa1: {  	s23 =	simm.s32 $0x1B8B  }
0xa2: {  	_ =	swait.ge [sflag:s23], $0x1  }
0xa3: {  	[sflag:s23] =	ssyncset.done $0x0  }
0xa4: {  	s25 =	simm.s32 $0x1B8E;
	s24 =	sld [smem:$0x3FFE];
	[sflag:s23] =	ssyncadd.s32 $0xFFFFFFFF  }
0xa5: {  	s26 =	simm.s32 $execute0_lowered;
	[smem:$0x3FD2] =	sst s25  }
0xa6: {  	s4 =	sshll.u32 s26, $0x1;
	_ =	strace $0x80000049;
	[dreg:$0x1] =	wrdreg $0xFFFFFFFF  }
0xa7: {  	s28 =	simm.s32 $_size_execute0_lowered;
	s2 =	sadd.s32 s2, s4;
	[dreg:$0x0] =	wrdreg $0x0  }
0xa8: {  	s4 =	sshll.u32 s28, $0x1;
	[dreg:$0x2] =	wrdreg s2  }
0xa9: {  	[dreg:$0x3] =	wrdreg s4  }
0xaa: {  	[dreg:$0x4] =	wrdreg $0xC0  }
0xab: {  	_ =	task [dreg:s6], $0x5FFFF  }
0xac: {  	[dreg:$0x1] =	wrdreg $0xFFFFFFFF  }
0xad: {  	[dreg:$0x0] =	wrdreg $0x60  }
0xae: {  	[dreg:$0x2] =	wrdreg s24  }
0xaf: {  	[dreg:$0x3] =	wrdreg $0xE1000  }
0xb0: {  	[dreg:$0x4] =	wrdreg $0x9  }
0xb1: {  	_ =	task.clear_ibuf [dreg:s6], $0x5FFFF;
	_ =	strace $0x90000049  }
0xb2: {  	s29 =	simm.s32 $0x9;
	_ =	strace $0x8000004B  }
0xb3: {  	_ =	swait.ge [sflag:s29], $0x1  }
0xb4: {  	[sflag:s29] =	ssyncadd.s32 $0xFFFFFFFF  }
0xb5: {  	_ =	strace $0x9000004B  }
0xb6: {  	_ =	sfence  }
0xb7: {  	s30 =	sld [smem:$0x0];
	_ =	sdelay $0x2  }
0xb8: {  	s31 =	sshll.u32 s1, $0xD;
	s1 =	sshrl.u32 s1, $0x2  }
0xb9: {  	s3 =	sand.u32 $0x4000, s31;
	s1 =	sadd.s32 s1, s30  }
0xba: {  	s0 =	sor.u32 s3, s0;
	s1 =	sshll.u32 s1, $0x11  }
0xbb: {  	s0 =	sor.u32 s1, s0  }
0xbc: {  	s0 =	sadd.s32 $0x8F2B, s0  }
0xbd: {  	[sflag:s0] =	ssyncadd.remote.s32 $0x1  }
0xbe: {  	_ =	sfence.sel $0xFFFF  }
0xbf: {  	[dreg:$0x0] =	wrdreg $0xFFFFFFFF;
	(pc) =	sbr.abs _section_cstart, $3  }
0xc0: {  	[dreg:$0x1] =	wrdreg $0xFFFFFFFF  }
0xc1: {  	_ =	task.clear_ibuf [dreg:s6], $0x2FFFF;
	_ =	strace $0x9FFFFFFF  }
0xc2: {  	(tm) =	ssettm $0x7FFFFFFF  }
0xc3: {  	_ =	shalt  }
tec
execute0_lowered:
.L_overlay_start_1:
0x0: {  	(tag) =	ssettag $0x1  }
0x1: {  	s5 =	rddreg [dreg:$0x0]  }
0x2: {  	s0 =	srdreg.scid;
	s2 =	rddreg [dreg:$0x1];
	s3 =	simm.s32 $0x0  }
0x3: {  	s13 =	simm.s32 $0x7D;
	s14 =	simm.s32 $0x23A0;
	s15 =	simm.s32 $0x3340  }
0x4: {  	s16 =	simm.s32 $0x42E0;
	s17 =	simm.s32 $0x5280;
	s4 =	sand.u32 $0x1, s0  }
0x5: {  	s18 =	simm.s32 $0x6220;
	s0 =	stileid.u32;
	s6 =	smul.u32 $0x4E200, s4  }
0x6: {  	s19 =	simm.s32 $0x71C0;
	s20 =	simm.s32 $0x8160;
	s8 =	smul.u32 $0x5000, s0  }
0x7: {  	s23 =	simm.s32 $0x0;
	[smem:$0x7FF] =	sst s3;
	s9 =	smul.u32 $0x50000, s4  }
0x8: {  	s1 =	sshll.u32 s4, $0x4;
	s31 =	ssub.s32 $0x2, s4;
	s12 =	smul.u32 $0x4E20, s0  }
0x9: {  	s4 =	sadd.s32 $0x13BE00, s5;
	s21 =	sshll.u32 s0, $0x6;
	s1 =	sor.u32 s0, s1  }
0xa: {  	s11 =	sshrl.u32 s31, $0x1;
	s21 =	sor.u32 $0x1C01, s21;
	s7 =	smul.u32 $0x280, s1  }
0xb: {  	s1 =	rddreg [dreg:$0x2];
	_ =	strace $0x8000004A;
	s10 =	sadd.s32 s6, s5  }
0xc: {  	s30 =	sadd.s32 s8, s9;
	s9 =	ssub.s32 s31, s11;
	s11 =	simm.s32 $0x1  }
0xd: {  	s10 =	sadd.s32 s12, s10;
	s29 =	sadd.s32 s7, s5;
	s7 =	sshrl.u32 s30, $0x3  }
0xe: {  	s12 =	simm.s32 $0x1400;
	s7 =	sadd.s32 s7, s5;
	s5 =	sadd.s32 s8, s2  }
0xf: {  	s6 =	sadd.s32 $0x13CA00, s29;
	s8 =	smax.u32 s9, $0x1;
	s9 =	sadd.s32 $0x9FA00, s10  }
0x10: {  	s10 =	simm.s32 $0x9100;
	s7 =	sadd.s32 $0x3600, s7;
	s22 =	sshrl.u32 s5, $0x3  }
.LBB2_1:
0x11: {  	[tilespmem:s10], [sflag:$0x1] =	stream.linear.gather [hbm4b:s4+s3], $0x5000, $0x38;
	[tilespmem:$0x13100] =	vst v63  }
0x12: {  	_ =	swait.ge [sflag:s11], $0x5000  }
0x13: {  	[sflag:s11] =	ssyncset.done $0x0  }
0x14: {  	[sflag:s11] =	ssyncadd.s32 $0xFFFFB000  }
0x15: {  	[spmem:s5] =	stream.linear.scatter [tilespmem:s10], [sflag:$0x1], $0x5000, $0x38;
	[tilespmem:$0x13100] =	vst v63  }
0x16: {  	_ =	swait.ge [sflag:s11], $0x5000  }
0x17: {  	[sflag:s11] =	ssyncset.done $0x0  }
0x18: {  	[sflag:s11] =	ssyncadd.s32 $0xFFFFB000  }
0x19: {  	[bflag:$0x0] =	sbarrier.arrive $0xFFFF  }
0x1a: {  	[tilespmem:s3], [sflag:$0x1] =	stream.linear.gather [hbm4b:s6+s3], $0x1400, $0x38;
	[tilespmem:$0x13100] =	vst v63  }
0x1b: {  	_ =	swait.ge [sflag:s11], $0x1400  }
0x1c: {  	[sflag:s11] =	ssyncset.done $0x0  }
0x1d: {  	[sflag:s11] =	ssyncadd.s32 $0xFFFFEC00  }
0x1e: {  	[tilespmem:s12], [sflag:$0x1] =	stream.linear.gather [hbm4b:s9+s3], $0x7D00, $0x38;
	[tilespmem:$0x13100] =	vst v63  }
0x1f: {  	_ =	swait.ge [sflag:s11], $0x7D00  }
0x20: {  	[sflag:s11] =	ssyncset.done $0x0  }
0x21: {  	s24 =	simm.s32 $0x0;
	[sflag:s11] =	ssyncadd.s32 $0xFFFF8300  }
0x22: {  	[spmem:s2] =	stream.indirect.scatter.add.f32 [tilespmem:s12], [sflag:$0x1], $0x20, s24, s13, $0xb8;
	[tilespmem:$0x13100] =	vst v63  }
0x23: {  	_ =	swait.ge [sflag:s11], $0xFA0  }
0x24: {  	[sflag:s11] =	ssyncset.done $0x0  }
0x25: {  	s31 =	simm.s32 $0x80;
	[sflag:s11] =	ssyncadd.s32 $0xFFFFF060  }
0x26: {  	[spmem:s2] =	stream.indirect.scatter.add.f32 [tilespmem:s14], [sflag:$0x1], $0x20, s31, s13, $0xb8;
	[tilespmem:$0x13100] =	vst v63  }
0x27: {  	_ =	swait.ge [sflag:s11], $0xFA0  }
0x28: {  	[sflag:s11] =	ssyncset.done $0x0  }
0x29: {  	s25 =	simm.s32 $0x100;
	[sflag:s11] =	ssyncadd.s32 $0xFFFFF060  }
0x2a: {  	[spmem:s2] =	stream.indirect.scatter.add.f32 [tilespmem:s15], [sflag:$0x1], $0x20, s25, s13, $0xb8;
	[tilespmem:$0x13100] =	vst v63  }
0x2b: {  	_ =	swait.ge [sflag:s11], $0xFA0  }
0x2c: {  	[sflag:s11] =	ssyncset.done $0x0  }
0x2d: {  	s26 =	simm.s32 $0x180;
	[sflag:s11] =	ssyncadd.s32 $0xFFFFF060  }
0x2e: {  	[spmem:s2] =	stream.indirect.scatter.add.f32 [tilespmem:s16], [sflag:$0x1], $0x20, s26, s13, $0xb8;
	[tilespmem:$0x13100] =	vst v63  }
0x2f: {  	_ =	swait.ge [sflag:s11], $0xFA0  }
0x30: {  	[sflag:s11] =	ssyncset.done $0x0  }
0x31: {  	s28 =	simm.s32 $0x200;
	[sflag:s11] =	ssyncadd.s32 $0xFFFFF060  }
0x32: {  	[spmem:s2] =	stream.indirect.scatter.add.f32 [tilespmem:s17], [sflag:$0x1], $0x20, s28, s13, $0xb8;
	[tilespmem:$0x13100] =	vst v63  }
0x33: {  	_ =	swait.ge [sflag:s11], $0xFA0  }
0x34: {  	[sflag:s11] =	ssyncset.done $0x0  }
0x35: {  	s29 =	simm.s32 $0x280;
	[sflag:s11] =	ssyncadd.s32 $0xFFFFF060  }
0x36: {  	[spmem:s2] =	stream.indirect.scatter.add.f32 [tilespmem:s18], [sflag:$0x1], $0x20, s29, s13, $0xb8;
	[tilespmem:$0x13100] =	vst v63  }
0x37: {  	_ =	swait.ge [sflag:s11], $0xFA0  }
0x38: {  	[sflag:s11] =	ssyncset.done $0x0  }
0x39: {  	s30 =	simm.s32 $0x300;
	[sflag:s11] =	ssyncadd.s32 $0xFFFFF060  }
0x3a: {  	[spmem:s2] =	stream.indirect.scatter.add.f32 [tilespmem:s19], [sflag:$0x1], $0x20, s30, s13, $0xb8;
	[tilespmem:$0x13100] =	vst v63  }
0x3b: {  	_ =	swait.ge [sflag:s11], $0xFA0  }
0x3c: {  	[sflag:s11] =	ssyncset.done $0x0  }
0x3d: {  	s31 =	simm.s32 $0x380;
	[sflag:s11] =	ssyncadd.s32 $0xFFFFF060  }
0x3e: {  	[spmem:s2] =	stream.indirect.scatter.add.f32 [tilespmem:s20], [sflag:$0x1], $0x20, s31, s13, $0xb8;
	[tilespmem:$0x13100] =	vst v63  }
0x3f: {  	_ =	swait.ge [sflag:s11], $0xFA0  }
0x40: {  	s24 =	simm.s32 $0x1000;
	s25 =	smov.u32 s9;
	[sflag:s11] =	ssyncset.done $0x0  }
.LBB2_2:
0x41: {  	p0 =	sne.s32 s24, $0x4000;
	[sflag:s11] =	ssyncadd.s32 $0xFFFFF060;
	s25 =	sadd.s32 $0xFA0, s25  }
0x42: {  	[tilespmem:s12], [sflag:$0x1] =	stream.linear.gather [hbm4b:s25+s3], $0x7D00, $0x38;
	[tilespmem:$0x13100] =	vst v63  }
0x43: {  	s26 =	smov.u32 s24;
	s24 =	sadd.s32 $0x1000, s24;
	_ =	swait.ge [sflag:s11], $0x7D00  }
0x44: {  	[sflag:s11] =	ssyncset.done $0x0  }
0x45: {  	s26 =	sshra.s32 s26, $0x2;
	[sflag:s11] =	ssyncadd.s32 $0xFFFF8300  }
0x46: {  	[spmem:s2] =	stream.indirect.scatter.add.f32 [tilespmem:s12], [sflag:$0x1], $0x20, s26, s13, $0xb8;
	[tilespmem:$0x13100] =	vst v63  }
0x47: {  	_ =	swait.ge [sflag:s11], $0xFA0  }
0x48: {  	[sflag:s11] =	ssyncset.done $0x0  }
0x49: {  	s28 =	sadd.s32 $0x80, s26;
	[sflag:s11] =	ssyncadd.s32 $0xFFFFF060  }
0x4a: {  	[spmem:s2] =	stream.indirect.scatter.add.f32 [tilespmem:s14], [sflag:$0x1], $0x20, s28, s13, $0xb8;
	[tilespmem:$0x13100] =	vst v63  }
0x4b: {  	_ =	swait.ge [sflag:s11], $0xFA0  }
0x4c: {  	[sflag:s11] =	ssyncset.done $0x0  }
0x4d: {  	s28 =	sadd.s32 $0x100, s26;
	[sflag:s11] =	ssyncadd.s32 $0xFFFFF060  }
0x4e: {  	[spmem:s2] =	stream.indirect.scatter.add.f32 [tilespmem:s15], [sflag:$0x1], $0x20, s28, s13, $0xb8;
	[tilespmem:$0x13100] =	vst v63  }
0x4f: {  	_ =	swait.ge [sflag:s11], $0xFA0  }
0x50: {  	[sflag:s11] =	ssyncset.done $0x0  }
0x51: {  	s28 =	sadd.s32 $0x180, s26;
	[sflag:s11] =	ssyncadd.s32 $0xFFFFF060  }
0x52: {  	[spmem:s2] =	stream.indirect.scatter.add.f32 [tilespmem:s16], [sflag:$0x1], $0x20, s28, s13, $0xb8;
	[tilespmem:$0x13100] =	vst v63  }
0x53: {  	_ =	swait.ge [sflag:s11], $0xFA0  }
0x54: {  	[sflag:s11] =	ssyncset.done $0x0  }
0x55: {  	s28 =	sadd.s32 $0x200, s26;
	[sflag:s11] =	ssyncadd.s32 $0xFFFFF060  }
0x56: {  	[spmem:s2] =	stream.indirect.scatter.add.f32 [tilespmem:s17], [sflag:$0x1], $0x20, s28, s13, $0xb8;
	[tilespmem:$0x13100] =	vst v63  }
0x57: {  	_ =	swait.ge [sflag:s11], $0xFA0  }
0x58: {  	[sflag:s11] =	ssyncset.done $0x0  }
0x59: {  	s28 =	sadd.s32 $0x280, s26;
	[sflag:s11] =	ssyncadd.s32 $0xFFFFF060  }
0x5a: {  	[spmem:s2] =	stream.indirect.scatter.add.f32 [tilespmem:s18], [sflag:$0x1], $0x20, s28, s13, $0xb8;
	[tilespmem:$0x13100] =	vst v63  }
0x5b: {  	_ =	swait.ge [sflag:s11], $0xFA0  }
0x5c: {  	[sflag:s11] =	ssyncset.done $0x0  }
0x5d: {  	s28 =	sadd.s32 $0x300, s26;
	[sflag:s11] =	ssyncadd.s32 $0xFFFFF060  }
0x5e: {  	[spmem:s2] =	stream.indirect.scatter.add.f32 [tilespmem:s19], [sflag:$0x1], $0x20, s28, s13, $0xb8;
	[tilespmem:$0x13100] =	vst v63  }
0x5f: {  	_ =	swait.ge [sflag:s11], $0xFA0  }
.Ltmp0:
0x60: {  	[sflag:s11] =	ssyncset.done $0x0;
	(pc) =	sbr.rel @p0 .LBB2_2-.Ltmp0, $4  }
0x61: {  	s26 =	sadd.s32 $0x380, s26;
	[sflag:s11] =	ssyncadd.s32 $0xFFFFF060  }
0x62: {  	[spmem:s2] =	stream.indirect.scatter.add.f32 [tilespmem:s20], [sflag:$0x1], $0x20, s26, s13, $0xb8;
	[tilespmem:$0x13100] =	vst v63  }
0x63: {  	_ =	swait.ge [sflag:s11], $0xFA0  }
0x64: {  	[sflag:s11] =	ssyncset.done $0x0  }
0x65: {  	s23 =	sadd.s32 $0x1, s23  }
0x66: {  	[sflag:s11] =	ssyncadd.s32 $0xFFFFF060;
	p0 =	sne.s32 s23, s8  }
.Ltmp1:
0x67: {  	[bflag:$0x0] =	sbarrier.arrive $0xFFFF;
	(pc) =	sbr.rel @p0 .LBB2_1-.Ltmp1, $4  }
0x68: {  	[hbm:s7], [sflag:s21] =	dma.local [spmem:s22], $0xA00  }
0x69: {  	_ =	swait.ge [sflag:s11], $0xA00  }
0x6a: {  	[sflag:s11] =	ssyncset.done $0x0  }
0x6b: {  	[sflag:s11] =	ssyncadd.s32 $0xFFFFF600  }
0x6c: {  	_ =	sfence.sel $0x180000  }
0x6d: {  	[bflag:$0x0] =	sbarrier.arrive $0xFFFF  }
0x6e: {  	p0 =	sne.s32 s0, $0x0;
	_ =	strace $0x9000004A  }
0x6f: {  	s0 =	sadd.s32 @!p0 $0x100000, s1;
	[bflag:$0x2] =	sbarrier.arrive $0xFFFF  }
0x70: {  	[sflag:s0] =	ssyncadd.tile.s32 @!p0 $0x1;
	_ =	shalt  }
.Lfunc_end2:
_tile_overlayer_lowered:
.L_overlay_start_2:
0x71: {  	(tag) =	ssettag $0x2  }
0x72: {  	s0 =	rddreg [dreg:$0x0];
	s2 =	stileid.u32  }
0x73: {  	s1 =	rddreg [dreg:$0x1];
	p0 =	sne.s32 s2, $0x0  }
0x74: {  	s3 =	rddreg [dreg:$0x2];
	[bflag:$0x3] =	sbarrier.arrive $0xFFFF;
	s2 =	simm.s32 @!p0 $0x1C01  }
0x75: {  	[timem:s3], [sflag:s2] =	dma.local @!p0 [hbm:s0], s1  }
0x76: {  	s0 =	simm.s32 @!p0 $0x1  }
0x77: {  	_ =	swait.ge @!p0 [sflag:s0], s1  }
0x78: {  	s1 =	ssub.s32 @!p0 $0x0, s1;
	[sflag:s0] =	ssyncset.done @!p0 $0x0  }
0x79: {  	[sflag:s0] =	ssyncadd.s32 @!p0 s1  }
0x7a: {  	[bflag:$0x3] =	sbarrier.arrive $0xFFFF  }
0x7b: {  	_ =	shalt  }

// kernel: kernel.8.cloned.1.call-start
scs
__scs_entry_jumppad:
0x0: {  	(pc) =	sbr.rel $0x88, $3  }
0x1: {  	(tag) =	ssettag $0x0;
	lr =	simm.s32 $0x1  }
0x2: {  	[smem:$0x3F90] =	sst lr;
	_ =	strace $0xD0000000  }
0x3: {  	_ = 	snop  }
0x4: {  	_ = 	snop  }
0x5: {  	_ = 	snop  }
0x6: {  	_ = 	snop  }
0x7: {  	_ = 	snop  }
__scs_overlays_trampoline_lowered:
0x8: {  	[smem:$0x3F9F] =	sst s0  }
0x9: {  	[smem:$0x3FA0] =	sst s1  }
0xa: {  	[smem:$0x3FA1] =	sst s2  }
0xb: {  	[smem:$0x3FA2] =	sst s3  }
0xc: {  	[smem:$0x3FA3] =	sst s4  }
0xd: {  	[smem:$0x3FA4] =	sst s5  }
0xe: {  	[smem:$0x3FA5] =	sst s6  }
0xf: {  	[smem:$0x3FA6] =	sst s7  }
0x10: {  	[smem:$0x3FA7] =	sst s8  }
0x11: {  	[smem:$0x3FA8] =	sst s9;
	s0 =	simm.s32 @!p0 $0x0  }
0x12: {  	s1 =	sld [smem:$0x3F8E];
	s0 =	simm.s32 @p0 $0x1  }
0x13: {  	[smem:$0x3FA9] =	sst s0;
	s0 =	simm.s32 @!p1 $0x0  }
0x14: {  	s2 =	sld [smem:$0x3F8D];
	s0 =	simm.s32 @p1 $0x1  }
0x15: {  	[smem:$0x3FAA] =	sst s0;
	s0 =	simm.s32 @!p2 $0x0  }
0x16: {  	s3 =	sld [smem:$0x3FDB];
	s0 =	simm.s32 @p2 $0x1  }
0x17: {  	s4 =	simm.s32 $0x1BF5;
	[smem:$0x3FAC] =	sst s0  }
0x18: {  	s0 =	sld [smem:$0x3F8F];
	_ =	swait.ge [sflag:s4], $0x0  }
0x19: {  	s7 =	sld [smem:$0x3F90]  }
0x1a: {  	s8 =	sadd.s32 $0xFFFFE003, lr  }
0x1b: {  	s9 =	sadd.s32 $0xFFFFFEF7, lr;
	s5 =	simm.s32 $0xFFFFFFFF;
	p2 =	slt.u32 s8, $0xFFFFF086  }
0x1c: {  	p1 =	slt.u32 s9, $0xF7A;
	s5 =	simm.s32 @!p2 $0x0  }
0x1d: {  	s5 =	simm.s32 @p1 $0x1;
	p0 =	seq.s32 s7, s2  }
0x1e: {  	s7 =	smul.u32 @!p0 $0xF7A, s2;
	p2 =	seq.s32 @!p0 s5, $0x0  }
0x1f: {  	s9 =	smul.u32 $0xF7A, s1;
	s8 =	simm.s32 @!p0 $0x1BF5;
	p2 =	por !p2, p0  }
0x20: {  	[sflag:s8] =	ssyncset.s32 @!p0 $0xFFFFF086;
	s6 =	sadd.s32 @!p0 s3, s7;
	s7 =	simm.s32 @!p0 $0x108  }
0x21: {  	s3 =	sadd.s32 s3, s9;
	s6 =	sadd.s32 @!p0 $0x88, s6;
	s7 =	simm.s32 @p2 $0x1082  }
0x22: {  	[simem:s7], [sflag:s8] =	dma.local @!p0 [hbm:s6], $0xF7A  }
0x23: {  	s9 =	sor.u32 $0xD0000000, s2;
	s6 =	simm.s32 $0x108;
	_ =	swait.ge @!p0 [sflag:s8], $0x0  }
0x24: {  	s3 =	sadd.s32 $0x88, s3;
	s6 =	simm.s32 @!p1 $0x1082;
	[sflag:s4] =	ssyncset.s32 $0xFFFFF086  }
0x25: {  	[simem:s6], [sflag:s4] =	dma.local [hbm:s3], $0xF7A  }
0x26: {  	[smem:$0x3F90] =	sst s1;
	(tag) =	ssettag s2;
	_ =	strace s9  }
0x27: {  	s1 =	sld [smem:$0x3FA0]  }
0x28: {  	s2 =	sld [smem:$0x3FA1]  }
0x29: {  	s4 =	sld [smem:$0x3FA3]  }
0x2a: {  	p0 =	seq.s32 s5, $0x0;
	s5 =	sld [smem:$0x3FA4]  }
0x2b: {  	s6 =	sld [smem:$0x3FA5]  }
0x2c: {  	s7 =	sld [smem:$0x3FA6]  }
0x2d: {  	s3 =	simm.s32 $0x108;
	s8 =	sld [smem:$0x3FA7]  }
0x2e: {  	s3 =	simm.s32 @!p0 $0x1082;
	s9 =	sld [smem:$0x3FA8]  }
0x2f: {  	lr =	sadd.s32 s0, s3;
	s0 =	sld [smem:$0x3F9F]  }
0x30: {  	s3 =	sld [smem:$0x3FA2]  }
0x31: {  	[smem:$0x3FAB] =	sst s10  }
0x32: {  	s10 =	sld [smem:$0x3FA9];
	_ =	sdelay $0x3  }
0x33: {  	p0 =	seq.s32 s10, $0x1;
	s10 =	sld [smem:$0x3FAB];
	_ =	sdelay $0x3  }
0x34: {  	[smem:$0x3FAB] =	sst s10  }
0x35: {  	s10 =	sld [smem:$0x3FAA];
	_ =	sdelay $0x3  }
0x36: {  	p1 =	seq.s32 s10, $0x1;
	s10 =	sld [smem:$0x3FAB];
	_ =	sdelay $0x3  }
0x37: {  	[smem:$0x3FAB] =	sst s10  }
0x38: {  	s10 =	sld [smem:$0x3FAC]  }
0x39: {  	_ = 	snop;
	(pc) =	sbr.ind lr, $3  }
0x3a: {  	_ = 	snop  }
0x3b: {  	_ = 	snop  }
0x3c: {  	p2 =	seq.s32 s10, $0x1;
	s10 =	sld [smem:$0x3FAB]  }
0x3d: {  	_ =	shalt  }
0x3e: {  	_ =	shalt  }
0x3f: {  	_ =	shalt  }
0x40: {  	_ =	shalt  }
0x41: {  	_ =	shalt  }
0x42: {  	_ =	shalt  }
0x43: {  	_ =	shalt  }
0x44: {  	_ =	shalt  }
0x45: {  	_ =	shalt  }
0x46: {  	_ =	shalt  }
0x47: {  	_ =	shalt  }
0x48: {  	_ =	shalt  }
0x49: {  	_ =	shalt  }
0x4a: {  	_ =	shalt  }
0x4b: {  	_ =	shalt  }
0x4c: {  	_ =	shalt  }
0x4d: {  	_ =	shalt  }
0x4e: {  	_ =	shalt  }
0x4f: {  	_ =	shalt  }
0x50: {  	_ =	shalt  }
0x51: {  	_ =	shalt  }
0x52: {  	_ =	shalt  }
0x53: {  	_ =	shalt  }
0x54: {  	_ =	shalt  }
0x55: {  	_ =	shalt  }
0x56: {  	_ =	shalt  }
0x57: {  	_ =	shalt  }
0x58: {  	_ =	shalt  }
0x59: {  	_ =	shalt  }
0x5a: {  	_ =	shalt  }
0x5b: {  	_ =	shalt  }
0x5c: {  	_ =	shalt  }
0x5d: {  	_ =	shalt  }
0x5e: {  	_ =	shalt  }
0x5f: {  	_ =	shalt  }
0x60: {  	_ =	shalt  }
0x61: {  	_ =	shalt  }
0x62: {  	_ =	shalt  }
0x63: {  	_ =	shalt  }
0x64: {  	_ =	shalt  }
0x65: {  	_ =	shalt  }
0x66: {  	_ =	shalt  }
0x67: {  	_ =	shalt  }
0x68: {  	_ =	shalt  }
0x69: {  	_ =	shalt  }
0x6a: {  	_ =	shalt  }
0x6b: {  	_ =	shalt  }
0x6c: {  	_ =	shalt  }
0x6d: {  	_ =	shalt  }
0x6e: {  	_ =	shalt  }
0x6f: {  	_ =	shalt  }
0x70: {  	_ =	shalt  }
0x71: {  	_ =	shalt  }
0x72: {  	_ =	shalt  }
0x73: {  	_ =	shalt  }
0x74: {  	_ =	shalt  }
0x75: {  	_ =	shalt  }
0x76: {  	_ =	shalt  }
0x77: {  	_ =	shalt  }
0x78: {  	_ =	shalt  }
0x79: {  	_ =	shalt  }
0x7a: {  	_ =	shalt  }
0x7b: {  	_ =	shalt  }
0x7c: {  	_ =	shalt  }
0x7d: {  	_ =	shalt  }
0x7e: {  	_ =	shalt  }
0x7f: {  	_ =	shalt  }
0x80: {  	_ =	shalt  }
0x81: {  	_ =	shalt  }
0x82: {  	_ =	shalt  }
0x83: {  	_ =	shalt  }
0x84: {  	_ =	shalt  }
0x85: {  	_ =	shalt  }
0x86: {  	_ =	shalt  }
0x87: {  	_ =	shalt  }
.Lfunc_end0:
.L_simem_size_0:
called_computation_lowered:
.L_overlay_start_0:
0x88: {  	s2 =	sld [smem:$0x3FD9]  }
0x89: {  	s3 =	sld [smem:$0x3FFE];
	_ =	sdelay $0x1  }
0x8a: {  	s1 =	srdreg.scid  }
0x8b: {  	s0 =	sand.u32 $0x1, s1  }
0x8c: {  	s16 =	sshll.u32 s0, $0xA;
	s2 =	sadd.s32 s3, s2  }
0x8d: {  	s2 =	sadd.s32 s2, s16  }
0x8e: {  	[smem:$0x3FB7] =	sst s2  }
0x8f: {  	_ = 	snop  }
0x90: {  	(tm) =	ssettm $0x1  }
0x91: {  	s17 =	sld [smem:$0x3FFB];
	_ =	sdelay $0x3  }
0x92: {  	_ =	strace s17  }
0x93: {  	s2 =	sld [smem:$0x3FFC];
	_ =	sdelay $0x3  }
0x94: {  	_ =	strace s2  }
0x95: {  	s2 =	sld [smem:$0x3FFD];
	_ =	sdelay $0x3  }
0x96: {  	_ =	strace s2  }
0x97: {  	_ =	strace $0x8FFFFFFF  }
0x98: {  	s18 =	sld [smem:$0x3FDB];
	_ =	sdelay $0x1  }
0x99: {  	s19 =	simm.s32 $_scs_section_size  }
0x9a: {  	s4 =	simm.s32 $_size__tile_overlayer_lowered;
	s5 =	simm.s32 $_tile_overlayer_lowered  }
0x9b: {  	s22 =	simm.s32 $0x1BFF;
	s21 =	sshll.u32 s5, $0x1;
	s2 =	sadd.s32 s19, s18  }
0x9c: {  	s6 =	simm.s32 $0x0;
	s20 =	sshll.u32 s4, $0x1;
	s4 =	sadd.s32 s21, s2  }
0x9d: {  	[timem:s6], [sflag:s22] =	dma.local [hbm:s4], s20  }
0x9e: {  	_ =	swait.ge [sflag:s22], s20  }
0x9f: {  	s3 =	ssub.s32 $0x0, s20;
	[sflag:s22] =	ssyncset.done $0x0  }
0xa0: {  	[sflag:s22] =	ssyncadd.s32 s3;
	_ =	sdelay $0x1  }
0xa1: {  	s23 =	simm.s32 $0x1B8B  }
0xa2: {  	_ =	swait.ge [sflag:s23], $0x1  }
0xa3: {  	[sflag:s23] =	ssyncset.done $0x0  }
0xa4: {  	s25 =	simm.s32 $0x1B8E;
	s24 =	sld [smem:$0x3FFE];
	[sflag:s23] =	ssyncadd.s32 $0xFFFFFFFF  }
0xa5: {  	s26 =	simm.s32 $execute0_lowered;
	[smem:$0x3FD2] =	sst s25  }
0xa6: {  	s4 =	sshll.u32 s26, $0x1;
	_ =	strace $0x80000046;
	[dreg:$0x1] =	wrdreg $0xFFFFFFFF  }
0xa7: {  	s28 =	simm.s32 $_size_execute0_lowered;
	s2 =	sadd.s32 s2, s4;
	[dreg:$0x0] =	wrdreg $0x0  }
0xa8: {  	s4 =	sshll.u32 s28, $0x1;
	[dreg:$0x2] =	wrdreg s2  }
0xa9: {  	[dreg:$0x3] =	wrdreg s4  }
0xaa: {  	[dreg:$0x4] =	wrdreg $0xC0  }
0xab: {  	_ =	task [dreg:s6], $0x5FFFF  }
0xac: {  	[dreg:$0x1] =	wrdreg $0xFFFFFFFF  }
0xad: {  	[dreg:$0x0] =	wrdreg $0x60  }
0xae: {  	[dreg:$0x2] =	wrdreg s24  }
0xaf: {  	[dreg:$0x3] =	wrdreg $0x9  }
0xb0: {  	_ =	task.clear_ibuf [dreg:s6], $0x4FFFF;
	_ =	strace $0x90000046  }
0xb1: {  	s29 =	simm.s32 $0x9;
	_ =	strace $0x80000048  }
0xb2: {  	_ =	swait.ge [sflag:s29], $0x1  }
0xb3: {  	[sflag:s29] =	ssyncadd.s32 $0xFFFFFFFF  }
0xb4: {  	_ =	strace $0x90000048  }
0xb5: {  	_ =	sfence  }
0xb6: {  	s30 =	sld [smem:$0x0];
	_ =	sdelay $0x2  }
0xb7: {  	s31 =	sshll.u32 s1, $0xD;
	s1 =	sshrl.u32 s1, $0x2  }
0xb8: {  	s3 =	sand.u32 $0x4000, s31;
	s1 =	sadd.s32 s1, s30  }
0xb9: {  	s0 =	sor.u32 s3, s0;
	s1 =	sshll.u32 s1, $0x11  }
0xba: {  	s0 =	sor.u32 s1, s0  }
0xbb: {  	s0 =	sadd.s32 $0x8F2B, s0  }
0xbc: {  	[sflag:s0] =	ssyncadd.remote.s32 $0x1  }
0xbd: {  	_ =	sfence.sel $0xFFFF  }
0xbe: {  	[dreg:$0x0] =	wrdreg $0xFFFFFFFF;
	(pc) =	sbr.abs _section_cstart, $3  }
0xbf: {  	[dreg:$0x1] =	wrdreg $0xFFFFFFFF  }
0xc0: {  	_ =	task.clear_ibuf [dreg:s6], $0x2FFFF;
	_ =	strace $0x9FFFFFFF  }
0xc1: {  	(tm) =	ssettm $0x7FFFFFFF  }
tec
execute0_lowered:
.L_overlay_start_1:
0x0: {  	(tag) =	ssettag $0x1  }
0x1: {  	s0 =	srdreg.scid;
	s4 =	rddreg [dreg:$0x0]  }
0x2: {  	s2 =	simm.s32 $0x0;
	s10 =	simm.s32 $0x23A0;
	s11 =	simm.s32 $0x3340  }
0x3: {  	s12 =	simm.s32 $0x42E0;
	s13 =	simm.s32 $0x5280;
	s14 =	simm.s32 $0x6220  }
0x4: {  	s15 =	simm.s32 $0x71C0;
	s16 =	simm.s32 $0x8160;
	s17 =	simm.s32 $0x1  }
0x5: {  	s18 =	simm.s32 $0x0;
	s3 =	sand.u32 $0x1, s0;
	s0 =	stileid.u32  }
0x6: {  	[smem:$0x7FF] =	sst s2;
	s1 =	sshll.u32 s3, $0x4;
	s6 =	smul.u32 $0x4E200, s3  }
0x7: {  	s7 =	ssub.s32 $0x2, s3;
	s8 =	smul.u32 $0x4E20, s0;
	s3 =	sadd.s32 $0x3600, s4  }
0x8: {  	s5 =	sor.u32 s0, s1;
	s1 =	rddreg [dreg:$0x1];
	_ =	strace $0x80000047  }
0x9: {  	s9 =	sshrl.u32 s7, $0x1;
	s5 =	smul.u32 $0x280, s5;
	s6 =	sadd.s32 s6, s4  }
0xa: {  	s31 =	ssub.s32 s7, s9;
	s7 =	simm.s32 $0x2;
	s9 =	simm.s32 $0x1400  }
0xb: {  	s6 =	sadd.s32 s8, s6;
	s8 =	simm.s32 $0x7D;
	s4 =	sadd.s32 s5, s4  }
0xc: {  	s5 =	smax.u32 s31, $0x1;
	s6 =	sadd.s32 $0x12400, s6;
	s4 =	sadd.s32 $0xD400, s4  }
.LBB2_1:
0xd: {  	[tilespmem:s2], [sflag:$0x2] =	stream.linear.gather [hbm4b:s4+s2], $0x1400, $0x38;
	[tilespmem:$0x9100] =	vst v63  }
0xe: {  	_ =	swait.ge [sflag:s7], $0x1400  }
0xf: {  	[sflag:s7] =	ssyncset.done $0x0  }
0x10: {  	s19 =	simm.s32 $0x0;
	[sflag:s7] =	ssyncadd.s32 $0xFFFFEC00  }
0x11: {  	[tilespmem:s9], [sflag:$0x1] =	stream.indirect.gather [hbm4b:s3+s8], $0x20, s19, s8, $0xb8;
	[tilespmem:$0x9100] =	vst v63  }
0x12: {  	s24 =	simm.s32 $0x80  }
0x13: {  	[tilespmem:s10], [sflag:$0x1] =	stream.indirect.gather [hbm4b:s3+s8], $0x20, s24, s8, $0xb8;
	[tilespmem:$0x9100] =	vst v63  }
0x14: {  	s25 =	simm.s32 $0x100  }
0x15: {  	[tilespmem:s11], [sflag:$0x1] =	stream.indirect.gather [hbm4b:s3+s8], $0x20, s25, s8, $0xb8;
	[tilespmem:$0x9100] =	vst v63  }
0x16: {  	s26 =	simm.s32 $0x180  }
0x17: {  	[tilespmem:s12], [sflag:$0x1] =	stream.indirect.gather [hbm4b:s3+s8], $0x20, s26, s8, $0xb8;
	[tilespmem:$0x9100] =	vst v63  }
0x18: {  	s28 =	simm.s32 $0x200  }
0x19: {  	[tilespmem:s13], [sflag:$0x1] =	stream.indirect.gather [hbm4b:s3+s8], $0x20, s28, s8, $0xb8;
	[tilespmem:$0x9100] =	vst v63  }
0x1a: {  	s29 =	simm.s32 $0x280  }
0x1b: {  	[tilespmem:s14], [sflag:$0x1] =	stream.indirect.gather [hbm4b:s3+s8], $0x20, s29, s8, $0xb8;
	[tilespmem:$0x9100] =	vst v63  }
0x1c: {  	s30 =	simm.s32 $0x300  }
0x1d: {  	[tilespmem:s15], [sflag:$0x1] =	stream.indirect.gather [hbm4b:s3+s8], $0x20, s30, s8, $0xb8;
	[tilespmem:$0x9100] =	vst v63  }
0x1e: {  	s31 =	simm.s32 $0x380  }
0x1f: {  	[tilespmem:s16], [sflag:$0x1] =	stream.indirect.gather [hbm4b:s3+s8], $0x20, s31, s8, $0xb8;
	[tilespmem:$0x9100] =	vst v63  }
0x20: {  	_ =	swait.ge [sflag:s17], $0xFA0  }
0x21: {  	[sflag:s17] =	ssyncset.done $0x0  }
0x22: {  	[sflag:s17] =	ssyncadd.s32 $0xFFFFF060  }
0x23: {  	_ =	swait.ge [sflag:s17], $0xFA0  }
0x24: {  	[sflag:s17] =	ssyncset.done $0x0  }
0x25: {  	[sflag:s17] =	ssyncadd.s32 $0xFFFFF060  }
0x26: {  	_ =	swait.ge [sflag:s17], $0xFA0  }
0x27: {  	[sflag:s17] =	ssyncset.done $0x0  }
0x28: {  	[sflag:s17] =	ssyncadd.s32 $0xFFFFF060  }
0x29: {  	_ =	swait.ge [sflag:s17], $0xFA0  }
0x2a: {  	[sflag:s17] =	ssyncset.done $0x0  }
0x2b: {  	[sflag:s17] =	ssyncadd.s32 $0xFFFFF060  }
0x2c: {  	_ =	swait.ge [sflag:s17], $0xFA0  }
0x2d: {  	[sflag:s17] =	ssyncset.done $0x0  }
0x2e: {  	[sflag:s17] =	ssyncadd.s32 $0xFFFFF060  }
0x2f: {  	_ =	swait.ge [sflag:s17], $0xFA0  }
0x30: {  	[sflag:s17] =	ssyncset.done $0x0  }
0x31: {  	[sflag:s17] =	ssyncadd.s32 $0xFFFFF060  }
0x32: {  	_ =	swait.ge [sflag:s17], $0xFA0  }
0x33: {  	[sflag:s17] =	ssyncset.done $0x0  }
0x34: {  	[sflag:s17] =	ssyncadd.s32 $0xFFFFF060  }
0x35: {  	_ =	swait.ge [sflag:s17], $0xFA0  }
0x36: {  	[sflag:s17] =	ssyncset.done $0x0  }
0x37: {  	[sflag:s17] =	ssyncadd.s32 $0xFFFFF060  }
0x38: {  	[hbm4b:s6+s2] =	stream.linear.scatter [tilespmem:s9], [sflag:$0x2], $0x7D00, $0x38;
	[tilespmem:$0x9100] =	vst v63  }
0x39: {  	s20 =	simm.s32 $0x1000;
	_ =	swait.ge [sflag:s7], $0x7D00  }
0x3a: {  	s22 =	simm.s32 $0x2000;
	s19 =	sadd.s32 $0xFA0, s6;
	[sflag:s7] =	ssyncset.done $0x0  }
.LBB2_2:
0x3b: {  	s23 =	sshra.s32 s20, $0x2  }
0x3c: {  	[sflag:s7] =	ssyncadd.s32 $0xFFFF8300;
	s20 =	smov.u32 s22;
	s21 =	sadd.s32 $0x1000, s22  }
0x3d: {  	[tilespmem:s9], [sflag:$0x1] =	stream.indirect.gather [hbm4b:s3+s8], $0x20, s23, s8, $0xb8;
	[tilespmem:$0x9100] =	vst v63  }
0x3e: {  	p0 =	sne.s32 s22, $0x4000;
	s22 =	sadd.s32 $0x80, s23  }
0x3f: {  	[tilespmem:s10], [sflag:$0x1] =	stream.indirect.gather [hbm4b:s3+s8], $0x20, s22, s8, $0xb8;
	[tilespmem:$0x9100] =	vst v63  }
0x40: {  	s22 =	sadd.s32 $0x100, s23  }
0x41: {  	[tilespmem:s11], [sflag:$0x1] =	stream.indirect.gather [hbm4b:s3+s8], $0x20, s22, s8, $0xb8;
	[tilespmem:$0x9100] =	vst v63  }
0x42: {  	s22 =	sadd.s32 $0x180, s23  }
0x43: {  	[tilespmem:s12], [sflag:$0x1] =	stream.indirect.gather [hbm4b:s3+s8], $0x20, s22, s8, $0xb8;
	[tilespmem:$0x9100] =	vst v63  }
0x44: {  	s22 =	sadd.s32 $0x200, s23  }
0x45: {  	[tilespmem:s13], [sflag:$0x1] =	stream.indirect.gather [hbm4b:s3+s8], $0x20, s22, s8, $0xb8;
	[tilespmem:$0x9100] =	vst v63  }
0x46: {  	s22 =	sadd.s32 $0x280, s23  }
0x47: {  	[tilespmem:s14], [sflag:$0x1] =	stream.indirect.gather [hbm4b:s3+s8], $0x20, s22, s8, $0xb8;
	[tilespmem:$0x9100] =	vst v63  }
0x48: {  	s22 =	sadd.s32 $0x300, s23  }
0x49: {  	[tilespmem:s15], [sflag:$0x1] =	stream.indirect.gather [hbm4b:s3+s8], $0x20, s22, s8, $0xb8;
	[tilespmem:$0x9100] =	vst v63  }
0x4a: {  	s22 =	sadd.s32 $0x380, s23  }
0x4b: {  	[tilespmem:s16], [sflag:$0x1] =	stream.indirect.gather [hbm4b:s3+s8], $0x20, s22, s8, $0xb8;
	[tilespmem:$0x9100] =	vst v63  }
0x4c: {  	_ =	swait.ge [sflag:s17], $0xFA0  }
0x4d: {  	[sflag:s17] =	ssyncset.done $0x0  }
0x4e: {  	[sflag:s17] =	ssyncadd.s32 $0xFFFFF060  }
0x4f: {  	_ =	swait.ge [sflag:s17], $0xFA0  }
0x50: {  	[sflag:s17] =	ssyncset.done $0x0  }
0x51: {  	[sflag:s17] =	ssyncadd.s32 $0xFFFFF060  }
0x52: {  	_ =	swait.ge [sflag:s17], $0xFA0  }
0x53: {  	[sflag:s17] =	ssyncset.done $0x0  }
0x54: {  	[sflag:s17] =	ssyncadd.s32 $0xFFFFF060  }
0x55: {  	_ =	swait.ge [sflag:s17], $0xFA0  }
0x56: {  	[sflag:s17] =	ssyncset.done $0x0  }
0x57: {  	[sflag:s17] =	ssyncadd.s32 $0xFFFFF060  }
0x58: {  	_ =	swait.ge [sflag:s17], $0xFA0  }
0x59: {  	[sflag:s17] =	ssyncset.done $0x0  }
0x5a: {  	[sflag:s17] =	ssyncadd.s32 $0xFFFFF060  }
0x5b: {  	_ =	swait.ge [sflag:s17], $0xFA0  }
0x5c: {  	[sflag:s17] =	ssyncset.done $0x0  }
0x5d: {  	[sflag:s17] =	ssyncadd.s32 $0xFFFFF060  }
0x5e: {  	_ =	swait.ge [sflag:s17], $0xFA0  }
0x5f: {  	[sflag:s17] =	ssyncset.done $0x0  }
0x60: {  	[sflag:s17] =	ssyncadd.s32 $0xFFFFF060  }
0x61: {  	_ =	swait.ge [sflag:s17], $0xFA0  }
.Ltmp0:
0x62: {  	[sflag:s17] =	ssyncset.done $0x0;
	(pc) =	sbr.rel @p0 .LBB2_2-.Ltmp0, $4  }
0x63: {  	[sflag:s17] =	ssyncadd.s32 $0xFFFFF060  }
0x64: {  	[hbm4b:s19+s2] =	stream.linear.scatter [tilespmem:s9], [sflag:$0x2], $0x7D00, $0x38;
	[tilespmem:$0x9100] =	vst v63  }
0x65: {  	_ =	swait.ge [sflag:s7], $0x7D00  }
0x66: {  	s22 =	smov.u32 s21;
	s19 =	sadd.s32 $0xFA0, s19;
	[sflag:s7] =	ssyncset.done $0x0  }
0x67: {  	s20 =	sshra.s32 s20, $0x2;
	[sflag:s7] =	ssyncadd.s32 $0xFFFF8300  }
0x68: {  	[tilespmem:s9], [sflag:$0x1] =	stream.indirect.gather [hbm4b:s3+s8], $0x20, s20, s8, $0xb8;
	[tilespmem:$0x9100] =	vst v63  }
0x69: {  	s21 =	sadd.s32 $0x80, s20  }
0x6a: {  	[tilespmem:s10], [sflag:$0x1] =	stream.indirect.gather [hbm4b:s3+s8], $0x20, s21, s8, $0xb8;
	[tilespmem:$0x9100] =	vst v63  }
0x6b: {  	s26 =	sadd.s32 $0x100, s20  }
0x6c: {  	[tilespmem:s11], [sflag:$0x1] =	stream.indirect.gather [hbm4b:s3+s8], $0x20, s26, s8, $0xb8;
	[tilespmem:$0x9100] =	vst v63  }
0x6d: {  	s28 =	sadd.s32 $0x180, s20  }
0x6e: {  	[tilespmem:s12], [sflag:$0x1] =	stream.indirect.gather [hbm4b:s3+s8], $0x20, s28, s8, $0xb8;
	[tilespmem:$0x9100] =	vst v63  }
0x6f: {  	s29 =	sadd.s32 $0x200, s20  }
0x70: {  	[tilespmem:s13], [sflag:$0x1] =	stream.indirect.gather [hbm4b:s3+s8], $0x20, s29, s8, $0xb8;
	[tilespmem:$0x9100] =	vst v63  }
0x71: {  	s30 =	sadd.s32 $0x280, s20  }
0x72: {  	[tilespmem:s14], [sflag:$0x1] =	stream.indirect.gather [hbm4b:s3+s8], $0x20, s30, s8, $0xb8;
	[tilespmem:$0x9100] =	vst v63  }
0x73: {  	s31 =	sadd.s32 $0x300, s20  }
0x74: {  	[tilespmem:s15], [sflag:$0x1] =	stream.indirect.gather [hbm4b:s3+s8], $0x20, s31, s8, $0xb8;
	[tilespmem:$0x9100] =	vst v63  }
0x75: {  	s20 =	sadd.s32 $0x380, s20  }
0x76: {  	[tilespmem:s16], [sflag:$0x1] =	stream.indirect.gather [hbm4b:s3+s8], $0x20, s20, s8, $0xb8;
	[tilespmem:$0x9100] =	vst v63  }
0x77: {  	_ =	swait.ge [sflag:s17], $0xFA0  }
0x78: {  	[sflag:s17] =	ssyncset.done $0x0  }
0x79: {  	[sflag:s17] =	ssyncadd.s32 $0xFFFFF060  }
0x7a: {  	_ =	swait.ge [sflag:s17], $0xFA0  }
0x7b: {  	[sflag:s17] =	ssyncset.done $0x0  }
0x7c: {  	[sflag:s17] =	ssyncadd.s32 $0xFFFFF060  }
0x7d: {  	_ =	swait.ge [sflag:s17], $0xFA0  }
0x7e: {  	[sflag:s17] =	ssyncset.done $0x0  }
0x7f: {  	[sflag:s17] =	ssyncadd.s32 $0xFFFFF060  }
0x80: {  	_ =	swait.ge [sflag:s17], $0xFA0  }
0x81: {  	[sflag:s17] =	ssyncset.done $0x0  }
0x82: {  	[sflag:s17] =	ssyncadd.s32 $0xFFFFF060  }
0x83: {  	_ =	swait.ge [sflag:s17], $0xFA0  }
0x84: {  	[sflag:s17] =	ssyncset.done $0x0  }
0x85: {  	[sflag:s17] =	ssyncadd.s32 $0xFFFFF060  }
0x86: {  	_ =	swait.ge [sflag:s17], $0xFA0  }
0x87: {  	[sflag:s17] =	ssyncset.done $0x0  }
0x88: {  	[sflag:s17] =	ssyncadd.s32 $0xFFFFF060  }
0x89: {  	_ =	swait.ge [sflag:s17], $0xFA0  }
0x8a: {  	[sflag:s17] =	ssyncset.done $0x0  }
0x8b: {  	[sflag:s17] =	ssyncadd.s32 $0xFFFFF060  }
0x8c: {  	s18 =	sadd.s32 $0x1, s18;
	_ =	swait.ge [sflag:s17], $0xFA0  }
0x8d: {  	p0 =	sne.s32 s18, s5;
	[sflag:s17] =	ssyncset.done $0x0  }
.Ltmp1:
0x8e: {  	[sflag:s17] =	ssyncadd.s32 $0xFFFFF060;
	(pc) =	sbr.rel @p0 .LBB2_1-.Ltmp1, $4  }
0x8f: {  	[hbm4b:s19+s2] =	stream.linear.scatter [tilespmem:s9], [sflag:$0x2], $0x7D00, $0x38;
	[tilespmem:$0x9100] =	vst v63  }
0x90: {  	_ =	swait.ge [sflag:s7], $0x7D00  }
0x91: {  	[sflag:s7] =	ssyncset.done $0x0  }
0x92: {  	[sflag:s7] =	ssyncadd.s32 $0xFFFF8300  }
0x93: {  	_ =	sfence.sel $0x180000  }
0x94: {  	[bflag:$0x0] =	sbarrier.arrive $0xFFFF  }
0x95: {  	p0 =	sne.s32 s0, $0x0;
	_ =	strace $0x90000047  }
0x96: {  	s0 =	sadd.s32 @!p0 $0x100000, s1;
	[bflag:$0x2] =	sbarrier.arrive $0xFFFF  }
0x97: {  	[sflag:s0] =	ssyncadd.tile.s32 @!p0 $0x1;
	_ =	shalt  }
.Lfunc_end2:
_tile_overlayer_lowered:
.L_overlay_start_2:
0x98: {  	(tag) =	ssettag $0x2  }
0x99: {  	s0 =	rddreg [dreg:$0x0];
	s2 =	stileid.u32  }
0x9a: {  	s1 =	rddreg [dreg:$0x1];
	p0 =	sne.s32 s2, $0x0  }
0x9b: {  	s3 =	rddreg [dreg:$0x2];
	[bflag:$0x3] =	sbarrier.arrive $0xFFFF;
	s2 =	simm.s32 @!p0 $0x1C02  }
0x9c: {  	[timem:s3], [sflag:s2] =	dma.local @!p0 [hbm:s0], s1  }
0x9d: {  	s0 =	simm.s32 @!p0 $0x2  }
0x9e: {  	_ =	swait.ge @!p0 [sflag:s0], s1  }
0x9f: {  	s1 =	ssub.s32 @!p0 $0x0, s1;
	[sflag:s0] =	ssyncset.done @!p0 $0x0  }
0xa0: {  	[sflag:s0] =	ssyncadd.s32 @!p0 s1  }
0xa1: {  	[bflag:$0x3] =	sbarrier.arrive $0xFFFF  }
0xa2: {  	_ =	shalt  }

</sc_bundles>
